<compile_context>
chip_gen: v7x
topology: tpu7x:2x2x1
jax: 0.10.2.dev20260603
libtpu: 0.0.44.dev20260713+nightly
codegen_flags: <defaults>
</compile_context>

<pallas_src>
import jax
import jax.numpy as jnp
from jax import lax
from jax.experimental import pallas as pl
from jax.experimental.pallas import tpu as pltpu
from jax.experimental.pallas import tpu_sc as plsc

N_TOTAL = 50000
N_SRC = 10000
N_DST = 10000
E = 320000
IN_DIM = 128
OUT_DIM = 64
N_NOR = 25000

NP = 16000
ZROWS = 10112
NC = 2
NS = 16
NW = NC * NS
CHUNK = 128
ECH_W = 80
E_PAD = NW * CHUNK * ECH_W
NOR_PAD = 32768
OUT_PAD = 16384
G_ROWS = (NOR_PAD + 2 * OUT_PAD) // CHUNK
G_CH_W = G_ROWS // NW
G_PD_W = NOR_PAD // CHUNK // G_CH_W + OUT_PAD // CHUNK // G_CH_W
NB = 4

R_BLK = 2000
N_GRID = N_DST // R_BLK
BETA = float(0.9 ** 5)


def _encoder_body(x_ref, w_ref, b_ref, o_ref):
    y = jnp.dot(x_ref[...], w_ref[...], preferred_element_type=jnp.float32)
    y = jnp.maximum(y + b_ref[...], 0.0)
    n = jnp.sqrt(jnp.sum(y * y, axis=1, keepdims=True))
    o_ref[...] = y / jnp.maximum(n, 1e-12)


def _sc_body(h_hbm, src2d, dst2d, gidx2d, pdiff_i, labl, z_td, z_t,
             agg_out, cnt_out, gv_out,
             sidx_v, didx_v, rows_v, ones_v, gidx_v, gval_v,
             acc_sh, cnt_sh, gsem, ssem, osem):
    c = lax.axis_index("c")
    s = lax.axis_index("s")
    wid = s * NC + c

    rps = ZROWS // NS
    r0 = s * rps
    pltpu.sync_copy(z_td.at[pl.ds(r0, rps)], acc_sh.at[pl.ds(r0, rps)])
    pltpu.sync_copy(z_t.at[pl.ds(r0, rps)], cnt_sh.at[pl.ds(r0, rps)])
    for i in range(CHUNK // 16):
        ones_v[pl.ds(i * 16, 16)] = jnp.full((16,), 1.0, jnp.float32)
    plsc.subcore_barrier()

    base = wid * ECH_W
    pltpu.sync_copy(src2d.at[pl.ds(base, ECH_W)], sidx_v)
    pltpu.sync_copy(dst2d.at[pl.ds(base, ECH_W)], didx_v)

    for b in range(NB):
        pltpu.async_copy(h_hbm.at[sidx_v.at[b]], rows_v.at[b], gsem.at[b])

    def edge_group(g, carry):
        for b in range(NB):
            j = g * NB + b
            pltpu.make_async_copy(h_hbm.at[sidx_v.at[j]], rows_v.at[b],
                                  gsem.at[b]).wait()
            pltpu.async_copy(rows_v.at[b], acc_sh.at[didx_v.at[j]],
                             ssem.at[b], add=True)
            pltpu.async_copy(ones_v, cnt_sh.at[didx_v.at[j]], osem, add=True)

            @pl.when(j >= NB)
            def _():
                pltpu.make_async_copy(z_t.at[pl.ds(0, CHUNK)],
                                      cnt_sh.at[pl.ds(0, CHUNK)],
                                      osem).wait()

            pb = (b - 1) % NB
            jn = j - 1 + NB

            @pl.when((j >= 1) & (jn < ECH_W))
            def _():
                pltpu.make_async_copy(rows_v.at[pb], acc_sh.at[didx_v.at[0]],
                                      ssem.at[pb]).wait()
                pltpu.async_copy(h_hbm.at[sidx_v.at[jn]], rows_v.at[pb],
                                 gsem.at[pb])

        return carry

    lax.fori_loop(0, ECH_W // NB, edge_group, 0)
    for b in range(NB):
        pltpu.make_async_copy(rows_v.at[b], acc_sh.at[didx_v.at[0]],
                              ssem.at[b]).wait()
    pltpu.make_async_copy(z_t.at[pl.ds(0, NB * CHUNK)],
                          cnt_sh.at[pl.ds(0, NB * CHUNK)], osem).wait()

    gbase = wid * G_CH_W
    pltpu.sync_copy(gidx2d.at[pl.ds(gbase, G_CH_W)], gidx_v)

    def pd_step(j, carry):
        pltpu.sync_copy(pdiff_i.at[gidx_v.at[j]], gval_v.at[j])
        return carry

    def lb_step(j, carry):
        pltpu.sync_copy(labl.at[gidx_v.at[j]], gval_v.at[j])
        return carry

    @pl.when(wid < G_PD_W)
    def _():
        lax.fori_loop(0, G_CH_W, pd_step, 0)

    @pl.when(wid >= G_PD_W)
    def _():
        lax.fori_loop(0, G_CH_W, lb_step, 0)

    pltpu.sync_copy(gval_v, gv_out.at[pl.ds(gbase, G_CH_W)])

    plsc.subcore_barrier()
    pltpu.sync_copy(acc_sh.at[pl.ds(r0, rps)],
                    agg_out.at[pl.ds(c * NP + r0, rps)])
    pltpu.sync_copy(cnt_sh.at[pl.ds(r0, rps)],
                    cnt_out.at[pl.ds(c * NP + r0, rps)])


def _final_body(h_ref, a0_ref, a1_ref, c0_ref, c1_ref, pdo_ref, lab_ref,
                pdn_ref, cen_ref, scores_ref, loss_ref, smem):
    i = pl.program_id(0)

    @pl.when(i == 0)
    def _():
        pdnv = pdn_ref[...]
        r = lax.broadcasted_iota(jnp.int32, pdnv.shape, 0)
        q = lax.broadcasted_iota(jnp.int32, pdnv.shape, 1)
        mask = (r * CHUNK + q) < N_NOR
        msum = jnp.sum(jnp.where(mask, pdnv, 0.0))
        mss = jnp.sum(jnp.where(mask, pdnv * pdnv, 0.0))
        n = jnp.float32(N_NOR)
        mean = msum / n
        var = (mss - msum * msum / n) / (n - 1.0)
        smem[4] = mean
        smem[5] = jnp.sqrt(var)
        smem[0] = 0.0
        smem[1] = 0.0
        smem[2] = 0.0
        smem[3] = 0.0

    mean = smem[4]
    std = smem[5]
    h = h_ref[...]
    mean_h = (a0_ref[...] + a1_ref[...]) / jnp.maximum(c0_ref[...] + c1_ref[...], 1.0)
    pdo = pdo_ref[...]
    pre = 1.0 - 1.0 / (1.0 + jnp.exp(-((pdo - mean) / std)))
    post = jnp.sum(h * mean_h, axis=1, keepdims=True)
    nei = (BETA * pre + (1.0 - BETA) * post) * 0.2
    h_out = nei * mean_h + (1.0 - nei) * h
    sc = jnp.sum(h_out * cen_ref[...], axis=1, keepdims=True)
    scores_ref[...] = sc

    curr = lab_ref[...] > 0.5
    posm = jnp.where(curr, 0.0, 1.0)
    negm = jnp.where(curr, 1.0, 0.0)
    sp = jnp.maximum(sc, 0.0) + jnp.log1p(jnp.exp(-jnp.abs(sc)))
    smem[0] += jnp.sum((sp - sc) * posm)
    smem[1] += jnp.sum(posm)
    smem[2] += jnp.sum(sp * negm)
    smem[3] += jnp.sum(negm)

    @pl.when(i == N_GRID - 1)
    def _():
        loss_ref[...] = jnp.reshape(smem[0] / smem[1] + smem[2] / smem[3], (1, 1))


def kernel(feats, edge_index, out_nodes, epoch, W, b, center, pos_diff, labels, nor_idx):
    del epoch
    f32 = jnp.float32

    pad_src = jnp.arange(E_PAD - E, dtype=jnp.int32) % N_SRC
    src = jnp.concatenate([edge_index[0], pad_src]).reshape(E_PAD // CHUNK, CHUNK)
    pad_dst = N_DST + (jnp.arange(E_PAD - E, dtype=jnp.int32) % (ZROWS - N_DST))
    dst = jnp.concatenate([edge_index[1], pad_dst]).reshape(E_PAD // CHUNK, CHUNK)
    pad_nor = jnp.arange(NOR_PAD - N_NOR, dtype=jnp.int32) % N_TOTAL
    pad_out = jnp.arange(OUT_PAD - N_DST, dtype=jnp.int32) % N_TOTAL
    outp = jnp.concatenate([out_nodes, pad_out])
    gidx2d = jnp.concatenate([nor_idx, pad_nor, outp, outp]).reshape(G_ROWS, CHUNK)
    z_td = jnp.zeros((ZROWS, OUT_DIM), f32)
    z_t = jnp.zeros((ZROWS,), f32)

    h = pl.pallas_call(
        _encoder_body,
        grid=(N_GRID,),
        in_specs=[
            pl.BlockSpec((R_BLK, IN_DIM), lambda i: (i, 0)),
            pl.BlockSpec((IN_DIM, OUT_DIM), lambda i: (0, 0)),
            pl.BlockSpec((1, OUT_DIM), lambda i: (0, 0)),
        ],
        out_specs=pl.BlockSpec((R_BLK, OUT_DIM), lambda i: (i, 0)),
        out_shape=jax.ShapeDtypeStruct((N_SRC, OUT_DIM), f32),
    )(feats, W, b.reshape(1, OUT_DIM))

    mesh = plsc.VectorSubcoreMesh(core_axis_name="c", subcore_axis_name="s",
                                  num_cores=NC, num_subcores=NS)
    sc_call = pl.kernel(
        _sc_body,
        out_type=(
            jax.ShapeDtypeStruct((NC * NP, OUT_DIM), f32),
            jax.ShapeDtypeStruct((NC * NP,), f32),
            jax.ShapeDtypeStruct((G_ROWS, CHUNK), jnp.int32),
        ),
        mesh=mesh,
        compiler_params=pltpu.CompilerParams(use_tc_tiling_on_sc=False),
        scratch_types=[
            pltpu.VMEM((ECH_W, CHUNK), jnp.int32),
            pltpu.VMEM((ECH_W, CHUNK), jnp.int32),
            pltpu.VMEM((NB, CHUNK, OUT_DIM), f32),
            pltpu.VMEM((CHUNK,), f32),
            pltpu.VMEM((G_CH_W, CHUNK), jnp.int32),
            pltpu.VMEM((G_CH_W, CHUNK), jnp.int32),
            pltpu.VMEM_SHARED((ZROWS, OUT_DIM), f32),
            pltpu.VMEM_SHARED((ZROWS,), f32),
            pltpu.SemaphoreType.DMA((NB,)),
            pltpu.SemaphoreType.DMA((NB,)),
            pltpu.SemaphoreType.DMA,
        ],
    )
    pos_diff_i = jax.lax.bitcast_convert_type(pos_diff, jnp.int32)
    agg, cnt, gv = sc_call(h, src, dst, gidx2d, pos_diff_i, labels, z_td, z_t)
    gvf = gv.reshape(-1)
    pdn = jax.lax.bitcast_convert_type(gvf[:NOR_PAD], f32).reshape(NOR_PAD // CHUNK, CHUNK)
    pdo = jax.lax.bitcast_convert_type(gvf[NOR_PAD:NOR_PAD + N_DST], f32)
    lab = gvf[NOR_PAD + OUT_PAD:NOR_PAD + OUT_PAD + N_DST]

    cntr = cnt.reshape(NC * NP, 1)
    scores2d, loss = pl.pallas_call(
        _final_body,
        grid=(N_GRID,),
        in_specs=[
            pl.BlockSpec((R_BLK, OUT_DIM), lambda i: (i, 0)),
            pl.BlockSpec((R_BLK, OUT_DIM), lambda i: (i, 0)),
            pl.BlockSpec((R_BLK, OUT_DIM), lambda i: (NP // R_BLK + i, 0)),
            pl.BlockSpec((R_BLK, 1), lambda i: (i, 0)),
            pl.BlockSpec((R_BLK, 1), lambda i: (NP // R_BLK + i, 0)),
            pl.BlockSpec((R_BLK, 1), lambda i: (i, 0)),
            pl.BlockSpec((R_BLK, 1), lambda i: (i, 0)),
            pl.BlockSpec((NOR_PAD // CHUNK, CHUNK), lambda i: (0, 0)),
            pl.BlockSpec((1, OUT_DIM), lambda i: (0, 0)),
        ],
        out_specs=[
            pl.BlockSpec((R_BLK, 1), lambda i: (i, 0)),
            pl.BlockSpec((1, 1), lambda i: (0, 0)),
        ],
        out_shape=[
            jax.ShapeDtypeStruct((N_DST, 1), f32),
            jax.ShapeDtypeStruct((1, 1), f32),
        ],
        scratch_shapes=[pltpu.SMEM((8,), f32)],
    )(
        h,
        agg,
        agg,
        cntr,
        cntr,
        pdo.reshape(N_DST, 1),
        lab.reshape(N_DST, 1).astype(f32),
        pdn,
        center.reshape(1, OUT_DIM),
    )

    return (loss[0, 0], scores2d[:, 0])

# --- scband reference (transcript-rebuilt; emitter-appended) ---
"""Pipeline reference for scband-global-model-11433202942743 (READ-ONLY COPY).

The authoritative reference and input builder live on the scoring server;
editing this copy changes nothing except your own understanding.
"""

import jax, jax.numpy as jnp
import numpy as np

N_TOTAL = 50000
N_SRC = 10000
N_DST = 10000
E = 320000
IN_DIM = 128
OUT_DIM = 64
N_NOR = 25000

def setup_inputs(seed: int = 0) -> dict:
    key = jax.random.key(seed)
    ks = jax.random.split(key, 12)
    feats = jax.random.normal(ks[0], (N_SRC, IN_DIM), dtype=jnp.float32)
    src = jax.random.randint(ks[1], (E,), 0, N_SRC, dtype=jnp.int32)
    dst = jax.random.randint(ks[2], (E,), 0, N_DST, dtype=jnp.int32)
    edge_index = jnp.stack([src, dst], axis=0)
    out_nodes = jax.random.randint(ks[3], (N_DST,), 0, N_TOTAL, dtype=jnp.int32)
    # learned / init-time parameters
    W = jax.random.normal(ks[4], (IN_DIM, OUT_DIM), dtype=jnp.float32) * (1.0 / np.sqrt(IN_DIM))
    b = jnp.zeros((OUT_DIM,), dtype=jnp.float32)
    center = jax.random.normal(ks[5], (OUT_DIM,), dtype=jnp.float32)
    pos_diff = jax.random.normal(ks[6], (N_TOTAL,), dtype=jnp.float32)
    labels = jax.random.randint(ks[7], (N_TOTAL,), 0, 2, dtype=jnp.int32)
    nor_idx = jax.random.randint(ks[8], (N_NOR,), 0, N_TOTAL, dtype=jnp.int32)
    epoch = 5
    return {"feats": feats, "edge_index": edge_index, "out_nodes": out_nodes, "epoch": epoch,
            "W": W, "b": b, "center": center, "pos_diff": pos_diff, "labels": labels, "nor_idx": nor_idx}


def _bce_with_logits(x, y):
    # mean( logaddexp(0, x) - y * x )
    return jnp.mean(jax.nn.softplus(x) - y * x)


def reference(feats, edge_index, out_nodes, epoch, W, b, center, pos_diff, labels, nor_idx):
    # Encoder: MLP (Linear + ReLU) then L2 normalize over dim=1
    h = feats @ W + b
    h = jnp.maximum(h, 0.0)
    h = h / jnp.clip(jnp.linalg.norm(h, axis=1, keepdims=True), 1e-12)
    # MeanAggregator: mean of src messages per dst node (fn.copy_u + fn.mean)
    src = edge_index[0]
    dst = edge_index[1]
    msg = jnp.take(h, src, axis=0)
    agg = jax.ops.segment_sum(msg, dst, num_segments=N_DST)
    cnt = jax.ops.segment_sum(jnp.ones((msg.shape[0],), jnp.float32), dst, num_segments=N_DST)
    mean_h = agg / jnp.clip(cnt, 1.0)[:, None]
    h_dst = h[:N_DST]
    # pre_attention (computed from pos_diff / nor_idx, as in __init__)
    nd = jnp.take(pos_diff, nor_idx, axis=0)
    nor_mean = jnp.mean(nd)
    nor_std = jnp.sqrt(jnp.var(nd, ddof=1))
    normalized_pos = (pos_diff - nor_mean) / nor_std
    pre_attn_all = (1.0 - jax.nn.sigmoid(normalized_pos))[:, None]
    pre_attn = jnp.take(pre_attn_all, out_nodes, axis=0)
    # post_attention: Discriminator(h, mean_h)
    post_attn = jnp.sum(h_dst * mean_h, axis=1)[:, None]
    beta_static = 0.9 ** 5
    if beta_static < 0.1:
        beta_static = 0.0
    beta = jnp.where(epoch == epoch, jnp.float32(beta_static), jnp.float32(0.0))
    attn = beta * pre_attn + (1.0 - beta) * post_attn
    # msg_pass
    nei = attn * 0.2
    h_out = nei * mean_h + (1.0 - nei) * h_dst
    # scores vs. center
    scores = jnp.sum(h_out * center[None, :], axis=1)
    curr_mask = jnp.take(labels, out_nodes, axis=0).astype(bool)
    pos_mask = (~curr_mask).astype(jnp.float32)
    neg_mask = curr_mask.astype(jnp.float32)
    pos_terms = jax.nn.softplus(scores) - 1.0 * scores
    neg_terms = jax.nn.softplus(scores) - 0.0 * scores
    pos_center_loss = jnp.sum(pos_terms * pos_mask) / jnp.sum(pos_mask)
    neg_center_loss = jnp.sum(neg_terms * neg_mask) / jnp.sum(neg_mask)
    center_loss = pos_center_loss + neg_center_loss
    return (center_loss, scores)

if __name__ == "__main__":
    import jax
    _d = setup_inputs()
    print(jax.jit(kernel)(*tuple(_d.values())))

</pallas_src>

<mosaic_0001>
#map = affine_map<(d0, d1) -> (0, 0)>
#map1 = affine_map<(d0, d1) -> (0)>
module attributes {stable_mosaic.version = 14 : i64} {
  func.func @_sc_body(%arg0: i32, %arg1: i32, %arg2: memref<10000x64xf32, #tpu.memory_space<hbm>>, %arg3: memref<2560x128xi32, #tpu.memory_space<hbm>>, %arg4: memref<2560x128xi32, #tpu.memory_space<hbm>>, %arg5: memref<512x128xi32, #tpu.memory_space<hbm>>, %arg6: memref<50000xi32, #tpu.memory_space<hbm>>, %arg7: memref<50000xi32, #tpu.memory_space<hbm>>, %arg8: memref<10112x64xf32, #tpu.memory_space<hbm>>, %arg9: memref<10112xf32, #tpu.memory_space<hbm>>, %arg10: memref<32000x64xf32, #tpu.memory_space<hbm>>, %arg11: memref<32000xf32, #tpu.memory_space<hbm>>, %arg12: memref<512x128xi32, #tpu.memory_space<hbm>>, %arg13: memref<80x128xi32, #tpu.memory_space<vmem>>, %arg14: memref<80x128xi32, #tpu.memory_space<vmem>>, %arg15: memref<4x128x64xf32, #tpu.memory_space<vmem>>, %arg16: memref<128xf32, #tpu.memory_space<vmem>>, %arg17: memref<16x128xi32, #tpu.memory_space<vmem>>, %arg18: memref<16x128xi32, #tpu.memory_space<vmem>>, %arg19: memref<10112x64xf32, #tpu.memory_space<vmem_shared>>, %arg20: memref<10112xf32, #tpu.memory_space<vmem_shared>>, %arg21: memref<4x!tpu.dma_semaphore, #tpu.memory_space<semaphore_mem>>, %arg22: memref<4x!tpu.dma_semaphore, #tpu.memory_space<semaphore_mem>>, %arg23: memref<!tpu.dma_semaphore, #tpu.memory_space<semaphore_mem>>) attributes {dimension_semantics = [#tpu.dimension_semantics<core_parallel>, #tpu.dimension_semantics<subcore_parallel>], iteration_bounds = array<i64: 2, 16>, scalar_prefetch = 0 : i64, scratch_operands = 11 : i64, tpu.core_type = #tpu.core_type<sc_vector_subcore>, window_params = [{transform_indices = #map}, {transform_indices = #map}, {transform_indices = #map}, {transform_indices = #map}, {transform_indices = #map1}, {transform_indices = #map1}, {transform_indices = #map}, {transform_indices = #map1}, {transform_indices = #map}, {transform_indices = #map1}, {transform_indices = #map}]} {
    %mul3A = arith.constant 2 : i32
    %mul3A_0 = arith.muli %arg1, %mul3A : i32
    %add3A = arith.addi %mul3A_0, %arg0 : i32
    %mul3A_1 = arith.constant 632 : i32
    %mul3A_2 = arith.muli %arg1, %mul3A_1 : i32
    "tpu.region"() ({
      %run_scoped3A = tpu.sem_alloc : memref<!tpu.dma_semaphore, #tpu.memory_space<semaphore_mem>>
      %dma_start3A_193 = arith.constant 0 : i32
      %dma_start3A_194 = tpu.memref_slice %arg19[%mul3A_2, %dma_start3A_193] : memref<10112x64xf32, #tpu.memory_space<vmem_shared>> -> memref<632x64xf32, #tpu.memory_space<vmem_shared>>
      %dma_start3A_195 = arith.constant 0 : i32
      %dma_start3A_196 = tpu.memref_slice %arg8[%mul3A_2, %dma_start3A_195] : memref<10112x64xf32, #tpu.memory_space<hbm>> -> memref<632x64xf32, #tpu.memory_space<hbm>>
      tpu.enqueue_dma source(%dma_start3A_196 : memref<632x64xf32, #tpu.memory_space<hbm>>) target(%dma_start3A_194 : memref<632x64xf32, #tpu.memory_space<vmem_shared>>) target_semaphore(%run_scoped3A : memref<!tpu.dma_semaphore, #tpu.memory_space<semaphore_mem>>)
      %dma_wait3A_197 = arith.constant 0 : i32
      %dma_wait3A_198 = tpu.memref_slice %arg19[%mul3A_2, %dma_wait3A_197] : memref<10112x64xf32, #tpu.memory_space<vmem_shared>> -> memref<632x64xf32, #tpu.memory_space<vmem_shared>>
      %dma_wait3A_199 = arith.constant 0 : i32
      %dma_wait3A_200 = tpu.memref_slice %arg8[%mul3A_2, %dma_wait3A_199] : memref<10112x64xf32, #tpu.memory_space<hbm>> -> memref<632x64xf32, #tpu.memory_space<hbm>>
      tpu.wait_dma2 semaphore(%run_scoped3A : memref<!tpu.dma_semaphore, #tpu.memory_space<semaphore_mem>>) src(%dma_wait3A_200 : memref<632x64xf32, #tpu.memory_space<hbm>>) dst(%dma_wait3A_198 : memref<632x64xf32, #tpu.memory_space<vmem_shared>>)
      tpu.yield
    }) : () -> ()
    "tpu.region"() ({
      %run_scoped3A = tpu.sem_alloc : memref<!tpu.dma_semaphore, #tpu.memory_space<semaphore_mem>>
      %dma_start3A_193 = tpu.memref_slice %arg20[%mul3A_2] : memref<10112xf32, #tpu.memory_space<vmem_shared>> -> memref<632xf32, #tpu.memory_space<vmem_shared>>
      %dma_start3A_194 = tpu.memref_slice %arg9[%mul3A_2] : memref<10112xf32, #tpu.memory_space<hbm>> -> memref<632xf32, #tpu.memory_space<hbm>>
      tpu.enqueue_dma source(%dma_start3A_194 : memref<632xf32, #tpu.memory_space<hbm>>) target(%dma_start3A_193 : memref<632xf32, #tpu.memory_space<vmem_shared>>) target_semaphore(%run_scoped3A : memref<!tpu.dma_semaphore, #tpu.memory_space<semaphore_mem>>)
      %dma_wait3A_195 = tpu.memref_slice %arg20[%mul3A_2] : memref<10112xf32, #tpu.memory_space<vmem_shared>> -> memref<632xf32, #tpu.memory_space<vmem_shared>>
      %dma_wait3A_196 = tpu.memref_slice %arg9[%mul3A_2] : memref<10112xf32, #tpu.memory_space<hbm>> -> memref<632xf32, #tpu.memory_space<hbm>>
      tpu.wait_dma2 semaphore(%run_scoped3A : memref<!tpu.dma_semaphore, #tpu.memory_space<semaphore_mem>>) src(%dma_wait3A_196 : memref<632xf32, #tpu.memory_space<hbm>>) dst(%dma_wait3A_195 : memref<632xf32, #tpu.memory_space<vmem_shared>>)
      tpu.yield
    }) : () -> ()
    %broadcast_in_dim3A = arith.constant 1.000000e+00 : f32
    %broadcast_in_dim3A_3 = vector.broadcast %broadcast_in_dim3A : f32 to vector<16xf32>
    %swap3A = arith.constant 0 : index
    %swap3A_4 = tpu.vector_load %arg16[%swap3A] {strides = array<i32>} : memref<128xf32, #tpu.memory_space<vmem>>, vector<16xf32>,
    %swap3A_5 = vector.shape_cast %swap3A_4 : vector<16xf32> to vector<16xf32>
    %swap3A_6 = vector.shape_cast %broadcast_in_dim3A_3 : vector<16xf32> to vector<16xf32>
    tpu.vector_store %arg16[%swap3A], %swap3A_6 {strides = array<i32>} : memref<128xf32, #tpu.memory_space<vmem>>, vector<16xf32>,
    %broadcast_in_dim3A_7 = arith.constant 1.000000e+00 : f32
    %broadcast_in_dim3A_8 = vector.broadcast %broadcast_in_dim3A_7 : f32 to vector<16xf32>
    %swap3A_9 = arith.constant 16 : index
    %swap3A_10 = tpu.vector_load %arg16[%swap3A_9] {strides = array<i32>} : memref<128xf32, #tpu.memory_space<vmem>>, vector<16xf32>,
    %swap3A_11 = vector.shape_cast %swap3A_10 : vector<16xf32> to vector<16xf32>
    %swap3A_12 = vector.shape_cast %broadcast_in_dim3A_8 : vector<16xf32> to vector<16xf32>
    tpu.vector_store %arg16[%swap3A_9], %swap3A_12 {strides = array<i32>} : memref<128xf32, #tpu.memory_space<vmem>>, vector<16xf32>,
    %broadcast_in_dim3A_13 = arith.constant 1.000000e+00 : f32
    %broadcast_in_dim3A_14 = vector.broadcast %broadcast_in_dim3A_13 : f32 to vector<16xf32>
    %swap3A_15 = arith.constant 32 : index
    %swap3A_16 = tpu.vector_load %arg16[%swap3A_15] {strides = array<i32>} : memref<128xf32, #tpu.memory_space<vmem>>, vector<16xf32>,
    %swap3A_17 = vector.shape_cast %swap3A_16 : vector<16xf32> to vector<16xf32>
    %swap3A_18 = vector.shape_cast %broadcast_in_dim3A_14 : vector<16xf32> to vector<16xf32>
    tpu.vector_store %arg16[%swap3A_15], %swap3A_18 {strides = array<i32>} : memref<128xf32, #tpu.memory_space<vmem>>, vector<16xf32>,
    %broadcast_in_dim3A_19 = arith.constant 1.000000e+00 : f32
    %broadcast_in_dim3A_20 = vector.broadcast %broadcast_in_dim3A_19 : f32 to vector<16xf32>
    %swap3A_21 = arith.constant 48 : index
    %swap3A_22 = tpu.vector_load %arg16[%swap3A_21] {strides = array<i32>} : memref<128xf32, #tpu.memory_space<vmem>>, vector<16xf32>,
    %swap3A_23 = vector.shape_cast %swap3A_22 : vector<16xf32> to vector<16xf32>
    %swap3A_24 = vector.shape_cast %broadcast_in_dim3A_20 : vector<16xf32> to vector<16xf32>
    tpu.vector_store %arg16[%swap3A_21], %swap3A_24 {strides = array<i32>} : memref<128xf32, #tpu.memory_space<vmem>>, vector<16xf32>,
    %broadcast_in_dim3A_25 = arith.constant 1.000000e+00 : f32
    %broadcast_in_dim3A_26 = vector.broadcast %broadcast_in_dim3A_25 : f32 to vector<16xf32>
    %swap3A_27 = arith.constant 64 : index
    %swap3A_28 = tpu.vector_load %arg16[%swap3A_27] {strides = array<i32>} : memref<128xf32, #tpu.memory_space<vmem>>, vector<16xf32>,
    %swap3A_29 = vector.shape_cast %swap3A_28 : vector<16xf32> to vector<16xf32>
    %swap3A_30 = vector.shape_cast %broadcast_in_dim3A_26 : vector<16xf32> to vector<16xf32>
    tpu.vector_store %arg16[%swap3A_27], %swap3A_30 {strides = array<i32>} : memref<128xf32, #tpu.memory_space<vmem>>, vector<16xf32>,
    %broadcast_in_dim3A_31 = arith.constant 1.000000e+00 : f32
    %broadcast_in_dim3A_32 = vector.broadcast %broadcast_in_dim3A_31 : f32 to vector<16xf32>
    %swap3A_33 = arith.constant 80 : index
    %swap3A_34 = tpu.vector_load %arg16[%swap3A_33] {strides = array<i32>} : memref<128xf32, #tpu.memory_space<vmem>>, vector<16xf32>,
    %swap3A_35 = vector.shape_cast %swap3A_34 : vector<16xf32> to vector<16xf32>
    %swap3A_36 = vector.shape_cast %broadcast_in_dim3A_32 : vector<16xf32> to vector<16xf32>
    tpu.vector_store %arg16[%swap3A_33], %swap3A_36 {strides = array<i32>} : memref<128xf32, #tpu.memory_space<vmem>>, vector<16xf32>,
    %broadcast_in_dim3A_37 = arith.constant 1.000000e+00 : f32
    %broadcast_in_dim3A_38 = vector.broadcast %broadcast_in_dim3A_37 : f32 to vector<16xf32>
    %swap3A_39 = arith.constant 96 : index
    %swap3A_40 = tpu.vector_load %arg16[%swap3A_39] {strides = array<i32>} : memref<128xf32, #tpu.memory_space<vmem>>, vector<16xf32>,
    %swap3A_41 = vector.shape_cast %swap3A_40 : vector<16xf32> to vector<16xf32>
    %swap3A_42 = vector.shape_cast %broadcast_in_dim3A_38 : vector<16xf32> to vector<16xf32>
    tpu.vector_store %arg16[%swap3A_39], %swap3A_42 {strides = array<i32>} : memref<128xf32, #tpu.memory_space<vmem>>, vector<16xf32>,
    %broadcast_in_dim3A_43 = arith.constant 1.000000e+00 : f32
    %broadcast_in_dim3A_44 = vector.broadcast %broadcast_in_dim3A_43 : f32 to vector<16xf32>
    %swap3A_45 = arith.constant 112 : index
    %swap3A_46 = tpu.vector_load %arg16[%swap3A_45] {strides = array<i32>} : memref<128xf32, #tpu.memory_space<vmem>>, vector<16xf32>,
    %swap3A_47 = vector.shape_cast %swap3A_46 : vector<16xf32> to vector<16xf32>
    %swap3A_48 = vector.shape_cast %broadcast_in_dim3A_44 : vector<16xf32> to vector<16xf32>
    tpu.vector_store %arg16[%swap3A_45], %swap3A_48 {strides = array<i32>} : memref<128xf32, #tpu.memory_space<vmem>>, vector<16xf32>,
    %barrier3A = arith.constant 0 : index
    tpu.barrier barrier_id(%barrier3A)
    %mul3A_49 = arith.constant 80 : i32
    %mul3A_50 = arith.muli %add3A, %mul3A_49 : i32
    "tpu.region"() ({
      %run_scoped3A = tpu.sem_alloc : memref<!tpu.dma_semaphore, #tpu.memory_space<semaphore_mem>>
      %dma_start3A_193 = arith.constant 0 : i32
      %dma_start3A_194 = tpu.memref_slice %arg3[%mul3A_50, %dma_start3A_193] : memref<2560x128xi32, #tpu.memory_space<hbm>> -> memref<80x128xi32, #tpu.memory_space<hbm>>
      %dma_start3A_195 = arith.constant 0 : i32
      %dma_start3A_196 = tpu.memref_slice %arg3[%mul3A_50, %dma_start3A_195] : memref<2560x128xi32, #tpu.memory_space<hbm>> -> memref<80x128xi32, #tpu.memory_space<hbm>>
      tpu.enqueue_dma source(%dma_start3A_196 : memref<80x128xi32, #tpu.memory_space<hbm>>) target(%arg13 : memref<80x128xi32, #tpu.memory_space<vmem>>) target_semaphore(%run_scoped3A : memref<!tpu.dma_semaphore, #tpu.memory_space<semaphore_mem>>)
      %dma_wait3A_197 = arith.constant 0 : i32
      %dma_wait3A_198 = tpu.memref_slice %arg3[%mul3A_50, %dma_wait3A_197] : memref<2560x128xi32, #tpu.memory_space<hbm>> -> memref<80x128xi32, #tpu.memory_space<hbm>>
      %dma_wait3A_199 = arith.constant 0 : i32
      %dma_wait3A_200 = tpu.memref_slice %arg3[%mul3A_50, %dma_wait3A_199] : memref<2560x128xi32, #tpu.memory_space<hbm>> -> memref<80x128xi32, #tpu.memory_space<hbm>>
      tpu.wait_dma2 semaphore(%run_scoped3A : memref<!tpu.dma_semaphore, #tpu.memory_space<semaphore_mem>>) src(%dma_wait3A_200 : memref<80x128xi32, #tpu.memory_space<hbm>>) dst(%arg13 : memref<80x128xi32, #tpu.memory_space<vmem>>)
      tpu.yield
    }) : () -> ()
    "tpu.region"() ({
      %run_scoped3A = tpu.sem_alloc : memref<!tpu.dma_semaphore, #tpu.memory_space<semaphore_mem>>
      %dma_start3A_193 = arith.constant 0 : i32
      %dma_start3A_194 = tpu.memref_slice %arg4[%mul3A_50, %dma_start3A_193] : memref<2560x128xi32, #tpu.memory_space<hbm>> -> memref<80x128xi32, #tpu.memory_space<hbm>>
      %dma_start3A_195 = arith.constant 0 : i32
      %dma_start3A_196 = tpu.memref_slice %arg4[%mul3A_50, %dma_start3A_195] : memref<2560x128xi32, #tpu.memory_space<hbm>> -> memref<80x128xi32, #tpu.memory_space<hbm>>
      tpu.enqueue_dma source(%dma_start3A_196 : memref<80x128xi32, #tpu.memory_space<hbm>>) target(%arg14 : memref<80x128xi32, #tpu.memory_space<vmem>>) target_semaphore(%run_scoped3A : memref<!tpu.dma_semaphore, #tpu.memory_space<semaphore_mem>>)
      %dma_wait3A_197 = arith.constant 0 : i32
      %dma_wait3A_198 = tpu.memref_slice %arg4[%mul3A_50, %dma_wait3A_197] : memref<2560x128xi32, #tpu.memory_space<hbm>> -> memref<80x128xi32, #tpu.memory_space<hbm>>
      %dma_wait3A_199 = arith.constant 0 : i32
      %dma_wait3A_200 = tpu.memref_slice %arg4[%mul3A_50, %dma_wait3A_199] : memref<2560x128xi32, #tpu.memory_space<hbm>> -> memref<80x128xi32, #tpu.memory_space<hbm>>
      tpu.wait_dma2 semaphore(%run_scoped3A : memref<!tpu.dma_semaphore, #tpu.memory_space<semaphore_mem>>) src(%dma_wait3A_200 : memref<80x128xi32, #tpu.memory_space<hbm>>) dst(%arg14 : memref<80x128xi32, #tpu.memory_space<vmem>>)
      tpu.yield
    }) : () -> ()
    %dma_start3A = arith.constant 0 : i32
    %dma_start3A_51 = arith.constant 0 : i32
    %dma_start3A_52 = arith.constant 0 : i32
    %dma_start3A_53 = arith.constant 0 : i32
    %dma_start3A_54 = arith.constant 0 : i32
    %dma_start3A_55 = tpu.memref_slice %arg15[%dma_start3A_51, %dma_start3A_53, %dma_start3A_54] : memref<4x128x64xf32, #tpu.memory_space<vmem>> -> memref<1x128x64xf32, #tpu.memory_space<vmem>>
    %dma_start3A_56 = tpu.memref_squeeze %dma_start3A_55 : memref<1x128x64xf32, #tpu.memory_space<vmem>> -> memref<128x64xf32, #tpu.memory_space<vmem>>
    %dma_start3A_57 = arith.constant 0 : i32
    %dma_start3A_58 = tpu.memref_slice %arg13[%dma_start3A, %dma_start3A_57] : memref<80x128xi32, #tpu.memory_space<vmem>> -> memref<1x128xi32, #tpu.memory_space<vmem>>
    %dma_start3A_59 = tpu.memref_squeeze %dma_start3A_58 : memref<1x128xi32, #tpu.memory_space<vmem>> -> memref<128xi32, #tpu.memory_space<vmem>>
    %dma_start3A_60 = arith.constant 0 : i32
    %dma_start3A_61 = arith.constant 0 : i32
    %dma_start3A_62 = tpu.memref_slice %arg2[%dma_start3A_60, %dma_start3A_61] : memref<10000x64xf32, #tpu.memory_space<hbm>> -> memref<10000x64xf32, #tpu.memory_space<hbm>>
    %dma_start3A_63 = tpu.memref_slice %arg21[%dma_start3A_52] : memref<4x!tpu.dma_semaphore, #tpu.memory_space<semaphore_mem>> -> memref<1x!tpu.dma_semaphore, #tpu.memory_space<semaphore_mem>>
    %dma_start3A_64 = tpu.memref_squeeze %dma_start3A_63 : memref<1x!tpu.dma_semaphore, #tpu.memory_space<semaphore_mem>> -> memref<!tpu.dma_semaphore, #tpu.memory_space<semaphore_mem>>
    tpu.enqueue_indirect_dma source(%dma_start3A_62 : memref<10000x64xf32, #tpu.memory_space<hbm>>) target(%dma_start3A_56 : memref<128x64xf32, #tpu.memory_space<vmem>>) offsets(%dma_start3A_59 : memref<128xi32, #tpu.memory_space<vmem>>) semaphore(%dma_start3A_64 : memref<!tpu.dma_semaphore, #tpu.memory_space<semaphore_mem>>)
    %dma_start3A_65 = arith.constant 1 : i32
    %dma_start3A_66 = arith.constant 1 : i32
    %dma_start3A_67 = arith.constant 1 : i32
    %dma_start3A_68 = arith.constant 0 : i32
    %dma_start3A_69 = arith.constant 0 : i32
    %dma_start3A_70 = tpu.memref_slice %arg15[%dma_start3A_66, %dma_start3A_68, %dma_start3A_69] : memref<4x128x64xf32, #tpu.memory_space<vmem>> -> memref<1x128x64xf32, #tpu.memory_space<vmem>>
    %dma_start3A_71 = tpu.memref_squeeze %dma_start3A_70 : memref<1x128x64xf32, #tpu.memory_space<vmem>> -> memref<128x64xf32, #tpu.memory_space<vmem>>
    %dma_start3A_72 = arith.constant 0 : i32
    %dma_start3A_73 = tpu.memref_slice %arg13[%dma_start3A_65, %dma_start3A_72] : memref<80x128xi32, #tpu.memory_space<vmem>> -> memref<1x128xi32, #tpu.memory_space<vmem>>
    %dma_start3A_74 = tpu.memref_squeeze %dma_start3A_73 : memref<1x128xi32, #tpu.memory_space<vmem>> -> memref<128xi32, #tpu.memory_space<vmem>>
    %dma_start3A_75 = arith.constant 0 : i32
    %dma_start3A_76 = arith.constant 0 : i32
    %dma_start3A_77 = tpu.memref_slice %arg2[%dma_start3A_75, %dma_start3A_76] : memref<10000x64xf32, #tpu.memory_space<hbm>> -> memref<10000x64xf32, #tpu.memory_space<hbm>>
    %dma_start3A_78 = tpu.memref_slice %arg21[%dma_start3A_67] : memref<4x!tpu.dma_semaphore, #tpu.memory_space<semaphore_mem>> -> memref<1x!tpu.dma_semaphore, #tpu.memory_space<semaphore_mem>>
    %dma_start3A_79 = tpu.memref_squeeze %dma_start3A_78 : memref<1x!tpu.dma_semaphore, #tpu.memory_space<semaphore_mem>> -> memref<!tpu.dma_semaphore, #tpu.memory_space<semaphore_mem>>
    tpu.enqueue_indirect_dma source(%dma_start3A_77 : memref<10000x64xf32, #tpu.memory_space<hbm>>) target(%dma_start3A_71 : memref<128x64xf32, #tpu.memory_space<vmem>>) offsets(%dma_start3A_74 : memref<128xi32, #tpu.memory_space<vmem>>) semaphore(%dma_start3A_79 : memref<!tpu.dma_semaphore, #tpu.memory_space<semaphore_mem>>)
    %dma_start3A_80 = arith.constant 2 : i32
    %dma_start3A_81 = arith.constant 2 : i32
    %dma_start3A_82 = arith.constant 2 : i32
    %dma_start3A_83 = arith.constant 0 : i32
    %dma_start3A_84 = arith.constant 0 : i32
    %dma_start3A_85 = tpu.memref_slice %arg15[%dma_start3A_81, %dma_start3A_83, %dma_start3A_84] : memref<4x128x64xf32, #tpu.memory_space<vmem>> -> memref<1x128x64xf32, #tpu.memory_space<vmem>>
    %dma_start3A_86 = tpu.memref_squeeze %dma_start3A_85 : memref<1x128x64xf32, #tpu.memory_space<vmem>> -> memref<128x64xf32, #tpu.memory_space<vmem>>
    %dma_start3A_87 = arith.constant 0 : i32
    %dma_start3A_88 = tpu.memref_slice %arg13[%dma_start3A_80, %dma_start3A_87] : memref<80x128xi32, #tpu.memory_space<vmem>> -> memref<1x128xi32, #tpu.memory_space<vmem>>
    %dma_start3A_89 = tpu.memref_squeeze %dma_start3A_88 : memref<1x128xi32, #tpu.memory_space<vmem>> -> memref<128xi32, #tpu.memory_space<vmem>>
    %dma_start3A_90 = arith.constant 0 : i32
    %dma_start3A_91 = arith.constant 0 : i32
    %dma_start3A_92 = tpu.memref_slice %arg2[%dma_start3A_90, %dma_start3A_91] : memref<10000x64xf32, #tpu.memory_space<hbm>> -> memref<10000x64xf32, #tpu.memory_space<hbm>>
    %dma_start3A_93 = tpu.memref_slice %arg21[%dma_start3A_82] : memref<4x!tpu.dma_semaphore, #tpu.memory_space<semaphore_mem>> -> memref<1x!tpu.dma_semaphore, #tpu.memory_space<semaphore_mem>>
    %dma_start3A_94 = tpu.memref_squeeze %dma_start3A_93 : memref<1x!tpu.dma_semaphore, #tpu.memory_space<semaphore_mem>> -> memref<!tpu.dma_semaphore, #tpu.memory_space<semaphore_mem>>
    tpu.enqueue_indirect_dma source(%dma_start3A_92 : memref<10000x64xf32, #tpu.memory_space<hbm>>) target(%dma_start3A_86 : memref<128x64xf32, #tpu.memory_space<vmem>>) offsets(%dma_start3A_89 : memref<128xi32, #tpu.memory_space<vmem>>) semaphore(%dma_start3A_94 : memref<!tpu.dma_semaphore, #tpu.memory_space<semaphore_mem>>)
    %dma_start3A_95 = arith.constant 3 : i32
    %dma_start3A_96 = arith.constant 3 : i32
    %dma_start3A_97 = arith.constant 3 : i32
    %dma_start3A_98 = arith.constant 0 : i32
    %dma_start3A_99 = arith.constant 0 : i32
    %dma_start3A_100 = tpu.memref_slice %arg15[%dma_start3A_96, %dma_start3A_98, %dma_start3A_99] : memref<4x128x64xf32, #tpu.memory_space<vmem>> -> memref<1x128x64xf32, #tpu.memory_space<vmem>>
    %dma_start3A_101 = tpu.memref_squeeze %dma_start3A_100 : memref<1x128x64xf32, #tpu.memory_space<vmem>> -> memref<128x64xf32, #tpu.memory_space<vmem>>
    %dma_start3A_102 = arith.constant 0 : i32
    %dma_start3A_103 = tpu.memref_slice %arg13[%dma_start3A_95, %dma_start3A_102] : memref<80x128xi32, #tpu.memory_space<vmem>> -> memref<1x128xi32, #tpu.memory_space<vmem>>
    %dma_start3A_104 = tpu.memref_squeeze %dma_start3A_103 : memref<1x128xi32, #tpu.memory_space<vmem>> -> memref<128xi32, #tpu.memory_space<vmem>>
    %dma_start3A_105 = arith.constant 0 : i32
    %dma_start3A_106 = arith.constant 0 : i32
    %dma_start3A_107 = tpu.memref_slice %arg2[%dma_start3A_105, %dma_start3A_106] : memref<10000x64xf32, #tpu.memory_space<hbm>> -> memref<10000x64xf32, #tpu.memory_space<hbm>>
    %dma_start3A_108 = tpu.memref_slice %arg21[%dma_start3A_97] : memref<4x!tpu.dma_semaphore, #tpu.memory_space<semaphore_mem>> -> memref<1x!tpu.dma_semaphore, #tpu.memory_space<semaphore_mem>>
    %dma_start3A_109 = tpu.memref_squeeze %dma_start3A_108 : memref<1x!tpu.dma_semaphore, #tpu.memory_space<semaphore_mem>> -> memref<!tpu.dma_semaphore, #tpu.memory_space<semaphore_mem>>
    tpu.enqueue_indirect_dma source(%dma_start3A_107 : memref<10000x64xf32, #tpu.memory_space<hbm>>) target(%dma_start3A_101 : memref<128x64xf32, #tpu.memory_space<vmem>>) offsets(%dma_start3A_104 : memref<128xi32, #tpu.memory_space<vmem>>) semaphore(%dma_start3A_109 : memref<!tpu.dma_semaphore, #tpu.memory_space<semaphore_mem>>)
    %scan3A = arith.constant 0 : i32
    %scan3A_110 = arith.constant 0 : i32
    %scan3A_111 = arith.constant 20 : i32
    %scan3A_112 = arith.addi %scan3A_110, %scan3A_111 : i32
    %scan3A_113 = arith.constant 1 : i32
    scf.for %scan3A_193 = %scan3A_110 to %scan3A_112 step %scan3A_113  : i32 {
      %mul3A_194 = arith.constant 4 : i32
      %mul3A_195 = arith.muli %scan3A_193, %mul3A_194 : i32
      %add3A_196 = arith.constant 0 : i32
      %add3A_197 = arith.addi %mul3A_195, %add3A_196 : i32
      %dma_wait3A_198 = arith.constant 0 : i32
      %dma_wait3A_199 = arith.constant 0 : i32
      %dma_wait3A_200 = arith.constant 0 : i32
      %dma_wait3A_201 = arith.constant 0 : i32
      %dma_wait3A_202 = tpu.memref_slice %arg15[%dma_wait3A_198, %dma_wait3A_200, %dma_wait3A_201] : memref<4x128x64xf32, #tpu.memory_space<vmem>> -> memref<1x128x64xf32, #tpu.memory_space<vmem>>
      %dma_wait3A_203 = tpu.memref_squeeze %dma_wait3A_202 : memref<1x128x64xf32, #tpu.memory_space<vmem>> -> memref<128x64xf32, #tpu.memory_space<vmem>>
      %dma_wait3A_204 = arith.constant 0 : i32
      %dma_wait3A_205 = tpu.memref_slice %arg13[%add3A_197, %dma_wait3A_204] : memref<80x128xi32, #tpu.memory_space<vmem>> -> memref<1x128xi32, #tpu.memory_space<vmem>>
      %dma_wait3A_206 = tpu.memref_squeeze %dma_wait3A_205 : memref<1x128xi32, #tpu.memory_space<vmem>> -> memref<128xi32, #tpu.memory_space<vmem>>
      %dma_wait3A_207 = arith.constant 0 : i32
      %dma_wait3A_208 = arith.constant 0 : i32
      %dma_wait3A_209 = tpu.memref_slice %arg2[%dma_wait3A_207, %dma_wait3A_208] : memref<10000x64xf32, #tpu.memory_space<hbm>> -> memref<10000x64xf32, #tpu.memory_space<hbm>>
      %dma_wait3A_210 = tpu.memref_slice %arg21[%dma_wait3A_199] : memref<4x!tpu.dma_semaphore, #tpu.memory_space<semaphore_mem>> -> memref<1x!tpu.dma_semaphore, #tpu.memory_space<semaphore_mem>>
      %dma_wait3A_211 = tpu.memref_squeeze %dma_wait3A_210 : memref<1x!tpu.dma_semaphore, #tpu.memory_space<semaphore_mem>> -> memref<!tpu.dma_semaphore, #tpu.memory_space<semaphore_mem>>
      tpu.wait_indirect_dma semaphore(%dma_wait3A_211 : memref<!tpu.dma_semaphore, #tpu.memory_space<semaphore_mem>>) src(%dma_wait3A_209 : memref<10000x64xf32, #tpu.memory_space<hbm>>) dst(%dma_wait3A_203 : memref<128x64xf32, #tpu.memory_space<vmem>>)
      %dma_start3A_212 = arith.constant 0 : i32
      %dma_start3A_213 = arith.constant 0 : i32
      %dma_start3A_214 = arith.constant 0 : i32
      %dma_start3A_215 = arith.constant 0 : i32
      %dma_start3A_216 = tpu.memref_slice %arg15[%dma_start3A_212, %dma_start3A_214, %dma_start3A_215] : memref<4x128x64xf32, #tpu.memory_space<vmem>> -> memref<1x128x64xf32, #tpu.memory_space<vmem>>
      %dma_start3A_217 = tpu.memref_squeeze %dma_start3A_216 : memref<1x128x64xf32, #tpu.memory_space<vmem>> -> memref<128x64xf32, #tpu.memory_space<vmem>>
      %dma_start3A_218 = arith.constant 0 : i32
      %dma_start3A_219 = tpu.memref_slice %arg14[%add3A_197, %dma_start3A_218] : memref<80x128xi32, #tpu.memory_space<vmem>> -> memref<1x128xi32, #tpu.memory_space<vmem>>
      %dma_start3A_220 = tpu.memref_squeeze %dma_start3A_219 : memref<1x128xi32, #tpu.memory_space<vmem>> -> memref<128xi32, #tpu.memory_space<vmem>>
      %dma_start3A_221 = arith.constant 0 : i32
      %dma_start3A_222 = arith.constant 0 : i32
      %dma_start3A_223 = tpu.memref_slice %arg19[%dma_start3A_221, %dma_start3A_222] : memref<10112x64xf32, #tpu.memory_space<vmem_shared>> -> memref<10112x64xf32, #tpu.memory_space<vmem_shared>>
      %dma_start3A_224 = tpu.memref_slice %arg22[%dma_start3A_213] : memref<4x!tpu.dma_semaphore, #tpu.memory_space<semaphore_mem>> -> memref<1x!tpu.dma_semaphore, #tpu.memory_space<semaphore_mem>>
      %dma_start3A_225 = tpu.memref_squeeze %dma_start3A_224 : memref<1x!tpu.dma_semaphore, #tpu.memory_space<semaphore_mem>> -> memref<!tpu.dma_semaphore, #tpu.memory_space<semaphore_mem>>
      tpu.enqueue_indirect_dma source(%dma_start3A_217 : memref<128x64xf32, #tpu.memory_space<vmem>>) target(%dma_start3A_223 : memref<10112x64xf32, #tpu.memory_space<vmem_shared>>) offsets(%dma_start3A_220 : memref<128xi32, #tpu.memory_space<vmem>>) semaphore(%dma_start3A_225 : memref<!tpu.dma_semaphore, #tpu.memory_space<semaphore_mem>>) {add = true}
      %dma_start3A_226 = arith.constant 0 : i32
      %dma_start3A_227 = tpu.memref_slice %arg14[%add3A_197, %dma_start3A_226] : memref<80x128xi32, #tpu.memory_space<vmem>> -> memref<1x128xi32, #tpu.memory_space<vmem>>
      %dma_start3A_228 = tpu.memref_squeeze %dma_start3A_227 : memref<1x128xi32, #tpu.memory_space<vmem>> -> memref<128xi32, #tpu.memory_space<vmem>>
      %dma_start3A_229 = arith.constant 0 : i32
      %dma_start3A_230 = tpu.memref_slice %arg20[%dma_start3A_229] : memref<10112xf32, #tpu.memory_space<vmem_shared>> -> memref<10112xf32, #tpu.memory_space<vmem_shared>>
      tpu.enqueue_indirect_dma source(%arg16 : memref<128xf32, #tpu.memory_space<vmem>>) target(%dma_start3A_230 : memref<10112xf32, #tpu.memory_space<vmem_shared>>) offsets(%dma_start3A_228 : memref<128xi32, #tpu.memory_space<vmem>>) semaphore(%arg23 : memref<!tpu.dma_semaphore, #tpu.memory_space<semaphore_mem>>) {add = true}
      %ge3A_231 = arith.constant 4 : i32
      %ge3A_232 = arith.cmpi sge, %add3A_197, %ge3A_231 : i32
      %convert_element_type3A_233 = arith.extui %ge3A_232 : i1 to i32
      %cond3A_234 = arith.constant 0 : i32
      %cond3A_235 = arith.cmpi ne, %convert_element_type3A_233, %cond3A_234 : i32
      scf.if %cond3A_235 {
        %dma_wait3A_408 = arith.constant 0 : i32
        %dma_wait3A_409 = tpu.memref_slice %arg20[%dma_wait3A_408] : memref<10112xf32, #tpu.memory_space<vmem_shared>> -> memref<128xf32, #tpu.memory_space<vmem_shared>>
        %dma_wait3A_410 = arith.constant 0 : i32
        %dma_wait3A_411 = tpu.memref_slice %arg9[%dma_wait3A_410] : memref<10112xf32, #tpu.memory_space<hbm>> -> memref<128xf32, #tpu.memory_space<hbm>>
        tpu.wait_dma2 semaphore(%arg23 : memref<!tpu.dma_semaphore, #tpu.memory_space<semaphore_mem>>) src(%dma_wait3A_411 : memref<128xf32, #tpu.memory_space<hbm>>) dst(%dma_wait3A_409 : memref<128xf32, #tpu.memory_space<vmem_shared>>)
      } else {
      }
      %sub3A = arith.constant 1 : i32
      %sub3A_236 = arith.subi %add3A_197, %sub3A : i32
      %add3A_237 = arith.constant 4 : i32
      %add3A_238 = arith.addi %sub3A_236, %add3A_237 : i32
      %ge3A_239 = arith.constant 1 : i32
      %ge3A_240 = arith.cmpi sge, %add3A_197, %ge3A_239 : i32
      %lt3A_241 = arith.constant 80 : i32
      %lt3A_242 = arith.cmpi slt, %add3A_238, %lt3A_241 : i32
      %and3A = arith.andi %ge3A_240, %lt3A_242 : i1
      %convert_element_type3A_243 = arith.extui %and3A : i1 to i32
      %cond3A_244 = arith.constant 0 : i32
      %cond3A_245 = arith.cmpi ne, %convert_element_type3A_243, %cond3A_244 : i32
      scf.if %cond3A_245 {
        %dma_wait3A_408 = arith.constant 3 : i32
        %dma_wait3A_409 = arith.constant 0 : i32
        %dma_wait3A_410 = arith.constant 3 : i32
        %dma_wait3A_411 = arith.constant 0 : i32
        %dma_wait3A_412 = arith.constant 0 : i32
        %dma_wait3A_413 = tpu.memref_slice %arg15[%dma_wait3A_408, %dma_wait3A_411, %dma_wait3A_412] : memref<4x128x64xf32, #tpu.memory_space<vmem>> -> memref<1x128x64xf32, #tpu.memory_space<vmem>>
        %dma_wait3A_414 = tpu.memref_squeeze %dma_wait3A_413 : memref<1x128x64xf32, #tpu.memory_space<vmem>> -> memref<128x64xf32, #tpu.memory_space<vmem>>
        %dma_wait3A_415 = arith.constant 0 : i32
        %dma_wait3A_416 = tpu.memref_slice %arg14[%dma_wait3A_409, %dma_wait3A_415] : memref<80x128xi32, #tpu.memory_space<vmem>> -> memref<1x128xi32, #tpu.memory_space<vmem>>
        %dma_wait3A_417 = tpu.memref_squeeze %dma_wait3A_416 : memref<1x128xi32, #tpu.memory_space<vmem>> -> memref<128xi32, #tpu.memory_space<vmem>>
        %dma_wait3A_418 = arith.constant 0 : i32
        %dma_wait3A_419 = arith.constant 0 : i32
        %dma_wait3A_420 = tpu.memref_slice %arg19[%dma_wait3A_418, %dma_wait3A_419] : memref<10112x64xf32, #tpu.memory_space<vmem_shared>> -> memref<10112x64xf32, #tpu.memory_space<vmem_shared>>
        %dma_wait3A_421 = tpu.memref_slice %arg22[%dma_wait3A_410] : memref<4x!tpu.dma_semaphore, #tpu.memory_space<semaphore_mem>> -> memref<1x!tpu.dma_semaphore, #tpu.memory_space<semaphore_mem>>
        %dma_wait3A_422 = tpu.memref_squeeze %dma_wait3A_421 : memref<1x!tpu.dma_semaphore, #tpu.memory_space<semaphore_mem>> -> memref<!tpu.dma_semaphore, #tpu.memory_space<semaphore_mem>>
        tpu.wait_indirect_dma semaphore(%dma_wait3A_422 : memref<!tpu.dma_semaphore, #tpu.memory_space<semaphore_mem>>) src(%dma_wait3A_414 : memref<128x64xf32, #tpu.memory_space<vmem>>) dst(%dma_wait3A_420 : memref<10112x64xf32, #tpu.memory_space<vmem_shared>>)
        %dma_start3A_423 = arith.constant 3 : i32
        %dma_start3A_424 = arith.constant 3 : i32
        %dma_start3A_425 = arith.constant 0 : i32
        %dma_start3A_426 = arith.constant 0 : i32
        %dma_start3A_427 = tpu.memref_slice %arg15[%dma_start3A_423, %dma_start3A_425, %dma_start3A_426] : memref<4x128x64xf32, #tpu.memory_space<vmem>> -> memref<1x128x64xf32, #tpu.memory_space<vmem>>
        %dma_start3A_428 = tpu.memref_squeeze %dma_start3A_427 : memref<1x128x64xf32, #tpu.memory_space<vmem>> -> memref<128x64xf32, #tpu.memory_space<vmem>>
        %dma_start3A_429 = arith.constant 0 : i32
        %dma_start3A_430 = tpu.memref_slice %arg13[%add3A_238, %dma_start3A_429] : memref<80x128xi32, #tpu.memory_space<vmem>> -> memref<1x128xi32, #tpu.memory_space<vmem>>
        %dma_start3A_431 = tpu.memref_squeeze %dma_start3A_430 : memref<1x128xi32, #tpu.memory_space<vmem>> -> memref<128xi32, #tpu.memory_space<vmem>>
        %dma_start3A_432 = arith.constant 0 : i32
        %dma_start3A_433 = arith.constant 0 : i32
        %dma_start3A_434 = tpu.memref_slice %arg2[%dma_start3A_432, %dma_start3A_433] : memref<10000x64xf32, #tpu.memory_space<hbm>> -> memref<10000x64xf32, #tpu.memory_space<hbm>>
        %dma_start3A_435 = tpu.memref_slice %arg21[%dma_start3A_424] : memref<4x!tpu.dma_semaphore, #tpu.memory_space<semaphore_mem>> -> memref<1x!tpu.dma_semaphore, #tpu.memory_space<semaphore_mem>>
        %dma_start3A_436 = tpu.memref_squeeze %dma_start3A_435 : memref<1x!tpu.dma_semaphore, #tpu.memory_space<semaphore_mem>> -> memref<!tpu.dma_semaphore, #tpu.memory_space<semaphore_mem>>
        tpu.enqueue_indirect_dma source(%dma_start3A_434 : memref<10000x64xf32, #tpu.memory_space<hbm>>) target(%dma_start3A_428 : memref<128x64xf32, #tpu.memory_space<vmem>>) offsets(%dma_start3A_431 : memref<128xi32, #tpu.memory_space<vmem>>) semaphore(%dma_start3A_436 : memref<!tpu.dma_semaphore, #tpu.memory_space<semaphore_mem>>)
      } else {
      }
      %mul3A_246 = arith.constant 4 : i32
      %mul3A_247 = arith.muli %scan3A_193, %mul3A_246 : i32
      %add3A_248 = arith.constant 1 : i32
      %add3A_249 = arith.addi %mul3A_247, %add3A_248 : i32
      %dma_wait3A_250 = arith.constant 1 : i32
      %dma_wait3A_251 = arith.constant 1 : i32
      %dma_wait3A_252 = arith.constant 0 : i32
      %dma_wait3A_253 = arith.constant 0 : i32
      %dma_wait3A_254 = tpu.memref_slice %arg15[%dma_wait3A_250, %dma_wait3A_252, %dma_wait3A_253] : memref<4x128x64xf32, #tpu.memory_space<vmem>> -> memref<1x128x64xf32, #tpu.memory_space<vmem>>
      %dma_wait3A_255 = tpu.memref_squeeze %dma_wait3A_254 : memref<1x128x64xf32, #tpu.memory_space<vmem>> -> memref<128x64xf32, #tpu.memory_space<vmem>>
      %dma_wait3A_256 = arith.constant 0 : i32
      %dma_wait3A_257 = tpu.memref_slice %arg13[%add3A_249, %dma_wait3A_256] : memref<80x128xi32, #tpu.memory_space<vmem>> -> memref<1x128xi32, #tpu.memory_space<vmem>>
      %dma_wait3A_258 = tpu.memref_squeeze %dma_wait3A_257 : memref<1x128xi32, #tpu.memory_space<vmem>> -> memref<128xi32, #tpu.memory_space<vmem>>
      %dma_wait3A_259 = arith.constant 0 : i32
      %dma_wait3A_260 = arith.constant 0 : i32
      %dma_wait3A_261 = tpu.memref_slice %arg2[%dma_wait3A_259, %dma_wait3A_260] : memref<10000x64xf32, #tpu.memory_space<hbm>> -> memref<10000x64xf32, #tpu.memory_space<hbm>>
      %dma_wait3A_262 = tpu.memref_slice %arg21[%dma_wait3A_251] : memref<4x!tpu.dma_semaphore, #tpu.memory_space<semaphore_mem>> -> memref<1x!tpu.dma_semaphore, #tpu.memory_space<semaphore_mem>>
      %dma_wait3A_263 = tpu.memref_squeeze %dma_wait3A_262 : memref<1x!tpu.dma_semaphore, #tpu.memory_space<semaphore_mem>> -> memref<!tpu.dma_semaphore, #tpu.memory_space<semaphore_mem>>
      tpu.wait_indirect_dma semaphore(%dma_wait3A_263 : memref<!tpu.dma_semaphore, #tpu.memory_space<semaphore_mem>>) src(%dma_wait3A_261 : memref<10000x64xf32, #tpu.memory_space<hbm>>) dst(%dma_wait3A_255 : memref<128x64xf32, #tpu.memory_space<vmem>>)
      %dma_start3A_264 = arith.constant 1 : i32
      %dma_start3A_265 = arith.constant 1 : i32
      %dma_start3A_266 = arith.constant 0 : i32
      %dma_start3A_267 = arith.constant 0 : i32
      %dma_start3A_268 = tpu.memref_slice %arg15[%dma_start3A_264, %dma_start3A_266, %dma_start3A_267] : memref<4x128x64xf32, #tpu.memory_space<vmem>> -> memref<1x128x64xf32, #tpu.memory_space<vmem>>
      %dma_start3A_269 = tpu.memref_squeeze %dma_start3A_268 : memref<1x128x64xf32, #tpu.memory_space<vmem>> -> memref<128x64xf32, #tpu.memory_space<vmem>>
      %dma_start3A_270 = arith.constant 0 : i32
      %dma_start3A_271 = tpu.memref_slice %arg14[%add3A_249, %dma_start3A_270] : memref<80x128xi32, #tpu.memory_space<vmem>> -> memref<1x128xi32, #tpu.memory_space<vmem>>
      %dma_start3A_272 = tpu.memref_squeeze %dma_start3A_271 : memref<1x128xi32, #tpu.memory_space<vmem>> -> memref<128xi32, #tpu.memory_space<vmem>>
      %dma_start3A_273 = arith.constant 0 : i32
      %dma_start3A_274 = arith.constant 0 : i32
      %dma_start3A_275 = tpu.memref_slice %arg19[%dma_start3A_273, %dma_start3A_274] : memref<10112x64xf32, #tpu.memory_space<vmem_shared>> -> memref<10112x64xf32, #tpu.memory_space<vmem_shared>>
      %dma_start3A_276 = tpu.memref_slice %arg22[%dma_start3A_265] : memref<4x!tpu.dma_semaphore, #tpu.memory_space<semaphore_mem>> -> memref<1x!tpu.dma_semaphore, #tpu.memory_space<semaphore_mem>>
      %dma_start3A_277 = tpu.memref_squeeze %dma_start3A_276 : memref<1x!tpu.dma_semaphore, #tpu.memory_space<semaphore_mem>> -> memref<!tpu.dma_semaphore, #tpu.memory_space<semaphore_mem>>
      tpu.enqueue_indirect_dma source(%dma_start3A_269 : memref<128x64xf32, #tpu.memory_space<vmem>>) target(%dma_start3A_275 : memref<10112x64xf32, #tpu.memory_space<vmem_shared>>) offsets(%dma_start3A_272 : memref<128xi32, #tpu.memory_space<vmem>>) semaphore(%dma_start3A_277 : memref<!tpu.dma_semaphore, #tpu.memory_space<semaphore_mem>>) {add = true}
      %dma_start3A_278 = arith.constant 0 : i32
      %dma_start3A_279 = tpu.memref_slice %arg14[%add3A_249, %dma_start3A_278] : memref<80x128xi32, #tpu.memory_space<vmem>> -> memref<1x128xi32, #tpu.memory_space<vmem>>
      %dma_start3A_280 = tpu.memref_squeeze %dma_start3A_279 : memref<1x128xi32, #tpu.memory_space<vmem>> -> memref<128xi32, #tpu.memory_space<vmem>>
      %dma_start3A_281 = arith.constant 0 : i32
      %dma_start3A_282 = tpu.memref_slice %arg20[%dma_start3A_281] : memref<10112xf32, #tpu.memory_space<vmem_shared>> -> memref<10112xf32, #tpu.memory_space<vmem_shared>>
      tpu.enqueue_indirect_dma source(%arg16 : memref<128xf32, #tpu.memory_space<vmem>>) target(%dma_start3A_282 : memref<10112xf32, #tpu.memory_space<vmem_shared>>) offsets(%dma_start3A_280 : memref<128xi32, #tpu.memory_space<vmem>>) semaphore(%arg23 : memref<!tpu.dma_semaphore, #tpu.memory_space<semaphore_mem>>) {add = true}
      %ge3A_283 = arith.constant 4 : i32
      %ge3A_284 = arith.cmpi sge, %add3A_249, %ge3A_283 : i32
      %convert_element_type3A_285 = arith.extui %ge3A_284 : i1 to i32
      %cond3A_286 = arith.constant 0 : i32
      %cond3A_287 = arith.cmpi ne, %convert_element_type3A_285, %cond3A_286 : i32
      scf.if %cond3A_287 {
        %dma_wait3A_408 = arith.constant 0 : i32
        %dma_wait3A_409 = tpu.memref_slice %arg20[%dma_wait3A_408] : memref<10112xf32, #tpu.memory_space<vmem_shared>> -> memref<128xf32, #tpu.memory_space<vmem_shared>>
        %dma_wait3A_410 = arith.constant 0 : i32
        %dma_wait3A_411 = tpu.memref_slice %arg9[%dma_wait3A_410] : memref<10112xf32, #tpu.memory_space<hbm>> -> memref<128xf32, #tpu.memory_space<hbm>>
        tpu.wait_dma2 semaphore(%arg23 : memref<!tpu.dma_semaphore, #tpu.memory_space<semaphore_mem>>) src(%dma_wait3A_411 : memref<128xf32, #tpu.memory_space<hbm>>) dst(%dma_wait3A_409 : memref<128xf32, #tpu.memory_space<vmem_shared>>)
      } else {
      }
      %sub3A_288 = arith.constant 1 : i32
      %sub3A_289 = arith.subi %add3A_249, %sub3A_288 : i32
      %add3A_290 = arith.constant 4 : i32
      %add3A_291 = arith.addi %sub3A_289, %add3A_290 : i32
      %ge3A_292 = arith.constant 1 : i32
      %ge3A_293 = arith.cmpi sge, %add3A_249, %ge3A_292 : i32
      %lt3A_294 = arith.constant 80 : i32
      %lt3A_295 = arith.cmpi slt, %add3A_291, %lt3A_294 : i32
      %and3A_296 = arith.andi %ge3A_293, %lt3A_295 : i1
      %convert_element_type3A_297 = arith.extui %and3A_296 : i1 to i32
      %cond3A_298 = arith.constant 0 : i32
      %cond3A_299 = arith.cmpi ne, %convert_element_type3A_297, %cond3A_298 : i32
      scf.if %cond3A_299 {
        %dma_wait3A_408 = arith.constant 0 : i32
        %dma_wait3A_409 = arith.constant 0 : i32
        %dma_wait3A_410 = arith.constant 0 : i32
        %dma_wait3A_411 = arith.constant 0 : i32
        %dma_wait3A_412 = arith.constant 0 : i32
        %dma_wait3A_413 = tpu.memref_slice %arg15[%dma_wait3A_408, %dma_wait3A_411, %dma_wait3A_412] : memref<4x128x64xf32, #tpu.memory_space<vmem>> -> memref<1x128x64xf32, #tpu.memory_space<vmem>>
        %dma_wait3A_414 = tpu.memref_squeeze %dma_wait3A_413 : memref<1x128x64xf32, #tpu.memory_space<vmem>> -> memref<128x64xf32, #tpu.memory_space<vmem>>
        %dma_wait3A_415 = arith.constant 0 : i32
        %dma_wait3A_416 = tpu.memref_slice %arg14[%dma_wait3A_409, %dma_wait3A_415] : memref<80x128xi32, #tpu.memory_space<vmem>> -> memref<1x128xi32, #tpu.memory_space<vmem>>
        %dma_wait3A_417 = tpu.memref_squeeze %dma_wait3A_416 : memref<1x128xi32, #tpu.memory_space<vmem>> -> memref<128xi32, #tpu.memory_space<vmem>>
        %dma_wait3A_418 = arith.constant 0 : i32
        %dma_wait3A_419 = arith.constant 0 : i32
        %dma_wait3A_420 = tpu.memref_slice %arg19[%dma_wait3A_418, %dma_wait3A_419] : memref<10112x64xf32, #tpu.memory_space<vmem_shared>> -> memref<10112x64xf32, #tpu.memory_space<vmem_shared>>
        %dma_wait3A_421 = tpu.memref_slice %arg22[%dma_wait3A_410] : memref<4x!tpu.dma_semaphore, #tpu.memory_space<semaphore_mem>> -> memref<1x!tpu.dma_semaphore, #tpu.memory_space<semaphore_mem>>
        %dma_wait3A_422 = tpu.memref_squeeze %dma_wait3A_421 : memref<1x!tpu.dma_semaphore, #tpu.memory_space<semaphore_mem>> -> memref<!tpu.dma_semaphore, #tpu.memory_space<semaphore_mem>>
        tpu.wait_indirect_dma semaphore(%dma_wait3A_422 : memref<!tpu.dma_semaphore, #tpu.memory_space<semaphore_mem>>) src(%dma_wait3A_414 : memref<128x64xf32, #tpu.memory_space<vmem>>) dst(%dma_wait3A_420 : memref<10112x64xf32, #tpu.memory_space<vmem_shared>>)
        %dma_start3A_423 = arith.constant 0 : i32
        %dma_start3A_424 = arith.constant 0 : i32
        %dma_start3A_425 = arith.constant 0 : i32
        %dma_start3A_426 = arith.constant 0 : i32
        %dma_start3A_427 = tpu.memref_slice %arg15[%dma_start3A_423, %dma_start3A_425, %dma_start3A_426] : memref<4x128x64xf32, #tpu.memory_space<vmem>> -> memref<1x128x64xf32, #tpu.memory_space<vmem>>
        %dma_start3A_428 = tpu.memref_squeeze %dma_start3A_427 : memref<1x128x64xf32, #tpu.memory_space<vmem>> -> memref<128x64xf32, #tpu.memory_space<vmem>>
        %dma_start3A_429 = arith.constant 0 : i32
        %dma_start3A_430 = tpu.memref_slice %arg13[%add3A_291, %dma_start3A_429] : memref<80x128xi32, #tpu.memory_space<vmem>> -> memref<1x128xi32, #tpu.memory_space<vmem>>
        %dma_start3A_431 = tpu.memref_squeeze %dma_start3A_430 : memref<1x128xi32, #tpu.memory_space<vmem>> -> memref<128xi32, #tpu.memory_space<vmem>>
        %dma_start3A_432 = arith.constant 0 : i32
        %dma_start3A_433 = arith.constant 0 : i32
        %dma_start3A_434 = tpu.memref_slice %arg2[%dma_start3A_432, %dma_start3A_433] : memref<10000x64xf32, #tpu.memory_space<hbm>> -> memref<10000x64xf32, #tpu.memory_space<hbm>>
        %dma_start3A_435 = tpu.memref_slice %arg21[%dma_start3A_424] : memref<4x!tpu.dma_semaphore, #tpu.memory_space<semaphore_mem>> -> memref<1x!tpu.dma_semaphore, #tpu.memory_space<semaphore_mem>>
        %dma_start3A_436 = tpu.memref_squeeze %dma_start3A_435 : memref<1x!tpu.dma_semaphore, #tpu.memory_space<semaphore_mem>> -> memref<!tpu.dma_semaphore, #tpu.memory_space<semaphore_mem>>
        tpu.enqueue_indirect_dma source(%dma_start3A_434 : memref<10000x64xf32, #tpu.memory_space<hbm>>) target(%dma_start3A_428 : memref<128x64xf32, #tpu.memory_space<vmem>>) offsets(%dma_start3A_431 : memref<128xi32, #tpu.memory_space<vmem>>) semaphore(%dma_start3A_436 : memref<!tpu.dma_semaphore, #tpu.memory_space<semaphore_mem>>)
      } else {
      }
      %mul3A_300 = arith.constant 4 : i32
      %mul3A_301 = arith.muli %scan3A_193, %mul3A_300 : i32
      %add3A_302 = arith.constant 2 : i32
      %add3A_303 = arith.addi %mul3A_301, %add3A_302 : i32
      %dma_wait3A_304 = arith.constant 2 : i32
      %dma_wait3A_305 = arith.constant 2 : i32
      %dma_wait3A_306 = arith.constant 0 : i32
      %dma_wait3A_307 = arith.constant 0 : i32
      %dma_wait3A_308 = tpu.memref_slice %arg15[%dma_wait3A_304, %dma_wait3A_306, %dma_wait3A_307] : memref<4x128x64xf32, #tpu.memory_space<vmem>> -> memref<1x128x64xf32, #tpu.memory_space<vmem>>
      %dma_wait3A_309 = tpu.memref_squeeze %dma_wait3A_308 : memref<1x128x64xf32, #tpu.memory_space<vmem>> -> memref<128x64xf32, #tpu.memory_space<vmem>>
      %dma_wait3A_310 = arith.constant 0 : i32
      %dma_wait3A_311 = tpu.memref_slice %arg13[%add3A_303, %dma_wait3A_310] : memref<80x128xi32, #tpu.memory_space<vmem>> -> memref<1x128xi32, #tpu.memory_space<vmem>>
      %dma_wait3A_312 = tpu.memref_squeeze %dma_wait3A_311 : memref<1x128xi32, #tpu.memory_space<vmem>> -> memref<128xi32, #tpu.memory_space<vmem>>
      %dma_wait3A_313 = arith.constant 0 : i32
      %dma_wait3A_314 = arith.constant 0 : i32
      %dma_wait3A_315 = tpu.memref_slice %arg2[%dma_wait3A_313, %dma_wait3A_314] : memref<10000x64xf32, #tpu.memory_space<hbm>> -> memref<10000x64xf32, #tpu.memory_space<hbm>>
      %dma_wait3A_316 = tpu.memref_slice %arg21[%dma_wait3A_305] : memref<4x!tpu.dma_semaphore, #tpu.memory_space<semaphore_mem>> -> memref<1x!tpu.dma_semaphore, #tpu.memory_space<semaphore_mem>>
      %dma_wait3A_317 = tpu.memref_squeeze %dma_wait3A_316 : memref<1x!tpu.dma_semaphore, #tpu.memory_space<semaphore_mem>> -> memref<!tpu.dma_semaphore, #tpu.memory_space<semaphore_mem>>
      tpu.wait_indirect_dma semaphore(%dma_wait3A_317 : memref<!tpu.dma_semaphore, #tpu.memory_space<semaphore_mem>>) src(%dma_wait3A_315 : memref<10000x64xf32, #tpu.memory_space<hbm>>) dst(%dma_wait3A_309 : memref<128x64xf32, #tpu.memory_space<vmem>>)
      %dma_start3A_318 = arith.constant 2 : i32
      %dma_start3A_319 = arith.constant 2 : i32
      %dma_start3A_320 = arith.constant 0 : i32
      %dma_start3A_321 = arith.constant 0 : i32
      %dma_start3A_322 = tpu.memref_slice %arg15[%dma_start3A_318, %dma_start3A_320, %dma_start3A_321] : memref<4x128x64xf32, #tpu.memory_space<vmem>> -> memref<1x128x64xf32, #tpu.memory_space<vmem>>
      %dma_start3A_323 = tpu.memref_squeeze %dma_start3A_322 : memref<1x128x64xf32, #tpu.memory_space<vmem>> -> memref<128x64xf32, #tpu.memory_space<vmem>>
      %dma_start3A_324 = arith.constant 0 : i32
      %dma_start3A_325 = tpu.memref_slice %arg14[%add3A_303, %dma_start3A_324] : memref<80x128xi32, #tpu.memory_space<vmem>> -> memref<1x128xi32, #tpu.memory_space<vmem>>
      %dma_start3A_326 = tpu.memref_squeeze %dma_start3A_325 : memref<1x128xi32, #tpu.memory_space<vmem>> -> memref<128xi32, #tpu.memory_space<vmem>>
      %dma_start3A_327 = arith.constant 0 : i32
      %dma_start3A_328 = arith.constant 0 : i32
      %dma_start3A_329 = tpu.memref_slice %arg19[%dma_start3A_327, %dma_start3A_328] : memref<10112x64xf32, #tpu.memory_space<vmem_shared>> -> memref<10112x64xf32, #tpu.memory_space<vmem_shared>>
      %dma_start3A_330 = tpu.memref_slice %arg22[%dma_start3A_319] : memref<4x!tpu.dma_semaphore, #tpu.memory_space<semaphore_mem>> -> memref<1x!tpu.dma_semaphore, #tpu.memory_space<semaphore_mem>>
      %dma_start3A_331 = tpu.memref_squeeze %dma_start3A_330 : memref<1x!tpu.dma_semaphore, #tpu.memory_space<semaphore_mem>> -> memref<!tpu.dma_semaphore, #tpu.memory_space<semaphore_mem>>
      tpu.enqueue_indirect_dma source(%dma_start3A_323 : memref<128x64xf32, #tpu.memory_space<vmem>>) target(%dma_start3A_329 : memref<10112x64xf32, #tpu.memory_space<vmem_shared>>) offsets(%dma_start3A_326 : memref<128xi32, #tpu.memory_space<vmem>>) semaphore(%dma_start3A_331 : memref<!tpu.dma_semaphore, #tpu.memory_space<semaphore_mem>>) {add = true}
      %dma_start3A_332 = arith.constant 0 : i32
      %dma_start3A_333 = tpu.memref_slice %arg14[%add3A_303, %dma_start3A_332] : memref<80x128xi32, #tpu.memory_space<vmem>> -> memref<1x128xi32, #tpu.memory_space<vmem>>
      %dma_start3A_334 = tpu.memref_squeeze %dma_start3A_333 : memref<1x128xi32, #tpu.memory_space<vmem>> -> memref<128xi32, #tpu.memory_space<vmem>>
      %dma_start3A_335 = arith.constant 0 : i32
      %dma_start3A_336 = tpu.memref_slice %arg20[%dma_start3A_335] : memref<10112xf32, #tpu.memory_space<vmem_shared>> -> memref<10112xf32, #tpu.memory_space<vmem_shared>>
      tpu.enqueue_indirect_dma source(%arg16 : memref<128xf32, #tpu.memory_space<vmem>>) target(%dma_start3A_336 : memref<10112xf32, #tpu.memory_space<vmem_shared>>) offsets(%dma_start3A_334 : memref<128xi32, #tpu.memory_space<vmem>>) semaphore(%arg23 : memref<!tpu.dma_semaphore, #tpu.memory_space<semaphore_mem>>) {add = true}
      %ge3A_337 = arith.constant 4 : i32
      %ge3A_338 = arith.cmpi sge, %add3A_303, %ge3A_337 : i32
      %convert_element_type3A_339 = arith.extui %ge3A_338 : i1 to i32
      %cond3A_340 = arith.constant 0 : i32
      %cond3A_341 = arith.cmpi ne, %convert_element_type3A_339, %cond3A_340 : i32
      scf.if %cond3A_341 {
        %dma_wait3A_408 = arith.constant 0 : i32
        %dma_wait3A_409 = tpu.memref_slice %arg20[%dma_wait3A_408] : memref<10112xf32, #tpu.memory_space<vmem_shared>> -> memref<128xf32, #tpu.memory_space<vmem_shared>>
        %dma_wait3A_410 = arith.constant 0 : i32
        %dma_wait3A_411 = tpu.memref_slice %arg9[%dma_wait3A_410] : memref<10112xf32, #tpu.memory_space<hbm>> -> memref<128xf32, #tpu.memory_space<hbm>>
        tpu.wait_dma2 semaphore(%arg23 : memref<!tpu.dma_semaphore, #tpu.memory_space<semaphore_mem>>) src(%dma_wait3A_411 : memref<128xf32, #tpu.memory_space<hbm>>) dst(%dma_wait3A_409 : memref<128xf32, #tpu.memory_space<vmem_shared>>)
      } else {
      }
      %sub3A_342 = arith.constant 1 : i32
      %sub3A_343 = arith.subi %add3A_303, %sub3A_342 : i32
      %add3A_344 = arith.constant 4 : i32
      %add3A_345 = arith.addi %sub3A_343, %add3A_344 : i32
      %ge3A_346 = arith.constant 1 : i32
      %ge3A_347 = arith.cmpi sge, %add3A_303, %ge3A_346 : i32
      %lt3A_348 = arith.constant 80 : i32
      %lt3A_349 = arith.cmpi slt, %add3A_345, %lt3A_348 : i32
      %and3A_350 = arith.andi %ge3A_347, %lt3A_349 : i1
      %convert_element_type3A_351 = arith.extui %and3A_350 : i1 to i32
      %cond3A_352 = arith.constant 0 : i32
      %cond3A_353 = arith.cmpi ne, %convert_element_type3A_351, %cond3A_352 : i32
      scf.if %cond3A_353 {
        %dma_wait3A_408 = arith.constant 1 : i32
        %dma_wait3A_409 = arith.constant 0 : i32
        %dma_wait3A_410 = arith.constant 1 : i32
        %dma_wait3A_411 = arith.constant 0 : i32
        %dma_wait3A_412 = arith.constant 0 : i32
        %dma_wait3A_413 = tpu.memref_slice %arg15[%dma_wait3A_408, %dma_wait3A_411, %dma_wait3A_412] : memref<4x128x64xf32, #tpu.memory_space<vmem>> -> memref<1x128x64xf32, #tpu.memory_space<vmem>>
        %dma_wait3A_414 = tpu.memref_squeeze %dma_wait3A_413 : memref<1x128x64xf32, #tpu.memory_space<vmem>> -> memref<128x64xf32, #tpu.memory_space<vmem>>
        %dma_wait3A_415 = arith.constant 0 : i32
        %dma_wait3A_416 = tpu.memref_slice %arg14[%dma_wait3A_409, %dma_wait3A_415] : memref<80x128xi32, #tpu.memory_space<vmem>> -> memref<1x128xi32, #tpu.memory_space<vmem>>
        %dma_wait3A_417 = tpu.memref_squeeze %dma_wait3A_416 : memref<1x128xi32, #tpu.memory_space<vmem>> -> memref<128xi32, #tpu.memory_space<vmem>>
        %dma_wait3A_418 = arith.constant 0 : i32
        %dma_wait3A_419 = arith.constant 0 : i32
        %dma_wait3A_420 = tpu.memref_slice %arg19[%dma_wait3A_418, %dma_wait3A_419] : memref<10112x64xf32, #tpu.memory_space<vmem_shared>> -> memref<10112x64xf32, #tpu.memory_space<vmem_shared>>
        %dma_wait3A_421 = tpu.memref_slice %arg22[%dma_wait3A_410] : memref<4x!tpu.dma_semaphore, #tpu.memory_space<semaphore_mem>> -> memref<1x!tpu.dma_semaphore, #tpu.memory_space<semaphore_mem>>
        %dma_wait3A_422 = tpu.memref_squeeze %dma_wait3A_421 : memref<1x!tpu.dma_semaphore, #tpu.memory_space<semaphore_mem>> -> memref<!tpu.dma_semaphore, #tpu.memory_space<semaphore_mem>>
        tpu.wait_indirect_dma semaphore(%dma_wait3A_422 : memref<!tpu.dma_semaphore, #tpu.memory_space<semaphore_mem>>) src(%dma_wait3A_414 : memref<128x64xf32, #tpu.memory_space<vmem>>) dst(%dma_wait3A_420 : memref<10112x64xf32, #tpu.memory_space<vmem_shared>>)
        %dma_start3A_423 = arith.constant 1 : i32
        %dma_start3A_424 = arith.constant 1 : i32
        %dma_start3A_425 = arith.constant 0 : i32
        %dma_start3A_426 = arith.constant 0 : i32
        %dma_start3A_427 = tpu.memref_slice %arg15[%dma_start3A_423, %dma_start3A_425, %dma_start3A_426] : memref<4x128x64xf32, #tpu.memory_space<vmem>> -> memref<1x128x64xf32, #tpu.memory_space<vmem>>
        %dma_start3A_428 = tpu.memref_squeeze %dma_start3A_427 : memref<1x128x64xf32, #tpu.memory_space<vmem>> -> memref<128x64xf32, #tpu.memory_space<vmem>>
        %dma_start3A_429 = arith.constant 0 : i32
        %dma_start3A_430 = tpu.memref_slice %arg13[%add3A_345, %dma_start3A_429] : memref<80x128xi32, #tpu.memory_space<vmem>> -> memref<1x128xi32, #tpu.memory_space<vmem>>
        %dma_start3A_431 = tpu.memref_squeeze %dma_start3A_430 : memref<1x128xi32, #tpu.memory_space<vmem>> -> memref<128xi32, #tpu.memory_space<vmem>>
        %dma_start3A_432 = arith.constant 0 : i32
        %dma_start3A_433 = arith.constant 0 : i32
        %dma_start3A_434 = tpu.memref_slice %arg2[%dma_start3A_432, %dma_start3A_433] : memref<10000x64xf32, #tpu.memory_space<hbm>> -> memref<10000x64xf32, #tpu.memory_space<hbm>>
        %dma_start3A_435 = tpu.memref_slice %arg21[%dma_start3A_424] : memref<4x!tpu.dma_semaphore, #tpu.memory_space<semaphore_mem>> -> memref<1x!tpu.dma_semaphore, #tpu.memory_space<semaphore_mem>>
        %dma_start3A_436 = tpu.memref_squeeze %dma_start3A_435 : memref<1x!tpu.dma_semaphore, #tpu.memory_space<semaphore_mem>> -> memref<!tpu.dma_semaphore, #tpu.memory_space<semaphore_mem>>
        tpu.enqueue_indirect_dma source(%dma_start3A_434 : memref<10000x64xf32, #tpu.memory_space<hbm>>) target(%dma_start3A_428 : memref<128x64xf32, #tpu.memory_space<vmem>>) offsets(%dma_start3A_431 : memref<128xi32, #tpu.memory_space<vmem>>) semaphore(%dma_start3A_436 : memref<!tpu.dma_semaphore, #tpu.memory_space<semaphore_mem>>)
      } else {
      }
      %mul3A_354 = arith.constant 4 : i32
      %mul3A_355 = arith.muli %scan3A_193, %mul3A_354 : i32
      %add3A_356 = arith.constant 3 : i32
      %add3A_357 = arith.addi %mul3A_355, %add3A_356 : i32
      %dma_wait3A_358 = arith.constant 3 : i32
      %dma_wait3A_359 = arith.constant 3 : i32
      %dma_wait3A_360 = arith.constant 0 : i32
      %dma_wait3A_361 = arith.constant 0 : i32
      %dma_wait3A_362 = tpu.memref_slice %arg15[%dma_wait3A_358, %dma_wait3A_360, %dma_wait3A_361] : memref<4x128x64xf32, #tpu.memory_space<vmem>> -> memref<1x128x64xf32, #tpu.memory_space<vmem>>
      %dma_wait3A_363 = tpu.memref_squeeze %dma_wait3A_362 : memref<1x128x64xf32, #tpu.memory_space<vmem>> -> memref<128x64xf32, #tpu.memory_space<vmem>>
      %dma_wait3A_364 = arith.constant 0 : i32
      %dma_wait3A_365 = tpu.memref_slice %arg13[%add3A_357, %dma_wait3A_364] : memref<80x128xi32, #tpu.memory_space<vmem>> -> memref<1x128xi32, #tpu.memory_space<vmem>>
      %dma_wait3A_366 = tpu.memref_squeeze %dma_wait3A_365 : memref<1x128xi32, #tpu.memory_space<vmem>> -> memref<128xi32, #tpu.memory_space<vmem>>
      %dma_wait3A_367 = arith.constant 0 : i32
      %dma_wait3A_368 = arith.constant 0 : i32
      %dma_wait3A_369 = tpu.memref_slice %arg2[%dma_wait3A_367, %dma_wait3A_368] : memref<10000x64xf32, #tpu.memory_space<hbm>> -> memref<10000x64xf32, #tpu.memory_space<hbm>>
      %dma_wait3A_370 = tpu.memref_slice %arg21[%dma_wait3A_359] : memref<4x!tpu.dma_semaphore, #tpu.memory_space<semaphore_mem>> -> memref<1x!tpu.dma_semaphore, #tpu.memory_space<semaphore_mem>>
      %dma_wait3A_371 = tpu.memref_squeeze %dma_wait3A_370 : memref<1x!tpu.dma_semaphore, #tpu.memory_space<semaphore_mem>> -> memref<!tpu.dma_semaphore, #tpu.memory_space<semaphore_mem>>
      tpu.wait_indirect_dma semaphore(%dma_wait3A_371 : memref<!tpu.dma_semaphore, #tpu.memory_space<semaphore_mem>>) src(%dma_wait3A_369 : memref<10000x64xf32, #tpu.memory_space<hbm>>) dst(%dma_wait3A_363 : memref<128x64xf32, #tpu.memory_space<vmem>>)
      %dma_start3A_372 = arith.constant 3 : i32
      %dma_start3A_373 = arith.constant 3 : i32
      %dma_start3A_374 = arith.constant 0 : i32
      %dma_start3A_375 = arith.constant 0 : i32
      %dma_start3A_376 = tpu.memref_slice %arg15[%dma_start3A_372, %dma_start3A_374, %dma_start3A_375] : memref<4x128x64xf32, #tpu.memory_space<vmem>> -> memref<1x128x64xf32, #tpu.memory_space<vmem>>
      %dma_start3A_377 = tpu.memref_squeeze %dma_start3A_376 : memref<1x128x64xf32, #tpu.memory_space<vmem>> -> memref<128x64xf32, #tpu.memory_space<vmem>>
      %dma_start3A_378 = arith.constant 0 : i32
      %dma_start3A_379 = tpu.memref_slice %arg14[%add3A_357, %dma_start3A_378] : memref<80x128xi32, #tpu.memory_space<vmem>> -> memref<1x128xi32, #tpu.memory_space<vmem>>
      %dma_start3A_380 = tpu.memref_squeeze %dma_start3A_379 : memref<1x128xi32, #tpu.memory_space<vmem>> -> memref<128xi32, #tpu.memory_space<vmem>>
      %dma_start3A_381 = arith.constant 0 : i32
      %dma_start3A_382 = arith.constant 0 : i32
      %dma_start3A_383 = tpu.memref_slice %arg19[%dma_start3A_381, %dma_start3A_382] : memref<10112x64xf32, #tpu.memory_space<vmem_shared>> -> memref<10112x64xf32, #tpu.memory_space<vmem_shared>>
      %dma_start3A_384 = tpu.memref_slice %arg22[%dma_start3A_373] : memref<4x!tpu.dma_semaphore, #tpu.memory_space<semaphore_mem>> -> memref<1x!tpu.dma_semaphore, #tpu.memory_space<semaphore_mem>>
      %dma_start3A_385 = tpu.memref_squeeze %dma_start3A_384 : memref<1x!tpu.dma_semaphore, #tpu.memory_space<semaphore_mem>> -> memref<!tpu.dma_semaphore, #tpu.memory_space<semaphore_mem>>
      tpu.enqueue_indirect_dma source(%dma_start3A_377 : memref<128x64xf32, #tpu.memory_space<vmem>>) target(%dma_start3A_383 : memref<10112x64xf32, #tpu.memory_space<vmem_shared>>) offsets(%dma_start3A_380 : memref<128xi32, #tpu.memory_space<vmem>>) semaphore(%dma_start3A_385 : memref<!tpu.dma_semaphore, #tpu.memory_space<semaphore_mem>>) {add = true}
      %dma_start3A_386 = arith.constant 0 : i32
      %dma_start3A_387 = tpu.memref_slice %arg14[%add3A_357, %dma_start3A_386] : memref<80x128xi32, #tpu.memory_space<vmem>> -> memref<1x128xi32, #tpu.memory_space<vmem>>
      %dma_start3A_388 = tpu.memref_squeeze %dma_start3A_387 : memref<1x128xi32, #tpu.memory_space<vmem>> -> memref<128xi32, #tpu.memory_space<vmem>>
      %dma_start3A_389 = arith.constant 0 : i32
      %dma_start3A_390 = tpu.memref_slice %arg20[%dma_start3A_389] : memref<10112xf32, #tpu.memory_space<vmem_shared>> -> memref<10112xf32, #tpu.memory_space<vmem_shared>>
      tpu.enqueue_indirect_dma source(%arg16 : memref<128xf32, #tpu.memory_space<vmem>>) target(%dma_start3A_390 : memref<10112xf32, #tpu.memory_space<vmem_shared>>) offsets(%dma_start3A_388 : memref<128xi32, #tpu.memory_space<vmem>>) semaphore(%arg23 : memref<!tpu.dma_semaphore, #tpu.memory_space<semaphore_mem>>) {add = true}
      %ge3A_391 = arith.constant 4 : i32
      %ge3A_392 = arith.cmpi sge, %add3A_357, %ge3A_391 : i32
      %convert_element_type3A_393 = arith.extui %ge3A_392 : i1 to i32
      %cond3A_394 = arith.constant 0 : i32
      %cond3A_395 = arith.cmpi ne, %convert_element_type3A_393, %cond3A_394 : i32
      scf.if %cond3A_395 {
        %dma_wait3A_408 = arith.constant 0 : i32
        %dma_wait3A_409 = tpu.memref_slice %arg20[%dma_wait3A_408] : memref<10112xf32, #tpu.memory_space<vmem_shared>> -> memref<128xf32, #tpu.memory_space<vmem_shared>>
        %dma_wait3A_410 = arith.constant 0 : i32
        %dma_wait3A_411 = tpu.memref_slice %arg9[%dma_wait3A_410] : memref<10112xf32, #tpu.memory_space<hbm>> -> memref<128xf32, #tpu.memory_space<hbm>>
        tpu.wait_dma2 semaphore(%arg23 : memref<!tpu.dma_semaphore, #tpu.memory_space<semaphore_mem>>) src(%dma_wait3A_411 : memref<128xf32, #tpu.memory_space<hbm>>) dst(%dma_wait3A_409 : memref<128xf32, #tpu.memory_space<vmem_shared>>)
      } else {
      }
      %sub3A_396 = arith.constant 1 : i32
      %sub3A_397 = arith.subi %add3A_357, %sub3A_396 : i32
      %add3A_398 = arith.constant 4 : i32
      %add3A_399 = arith.addi %sub3A_397, %add3A_398 : i32
      %ge3A_400 = arith.constant 1 : i32
      %ge3A_401 = arith.cmpi sge, %add3A_357, %ge3A_400 : i32
      %lt3A_402 = arith.constant 80 : i32
      %lt3A_403 = arith.cmpi slt, %add3A_399, %lt3A_402 : i32
      %and3A_404 = arith.andi %ge3A_401, %lt3A_403 : i1
      %convert_element_type3A_405 = arith.extui %and3A_404 : i1 to i32
      %cond3A_406 = arith.constant 0 : i32
      %cond3A_407 = arith.cmpi ne, %convert_element_type3A_405, %cond3A_406 : i32
      scf.if %cond3A_407 {
        %dma_wait3A_408 = arith.constant 2 : i32
        %dma_wait3A_409 = arith.constant 0 : i32
        %dma_wait3A_410 = arith.constant 2 : i32
        %dma_wait3A_411 = arith.constant 0 : i32
        %dma_wait3A_412 = arith.constant 0 : i32
        %dma_wait3A_413 = tpu.memref_slice %arg15[%dma_wait3A_408, %dma_wait3A_411, %dma_wait3A_412] : memref<4x128x64xf32, #tpu.memory_space<vmem>> -> memref<1x128x64xf32, #tpu.memory_space<vmem>>
        %dma_wait3A_414 = tpu.memref_squeeze %dma_wait3A_413 : memref<1x128x64xf32, #tpu.memory_space<vmem>> -> memref<128x64xf32, #tpu.memory_space<vmem>>
        %dma_wait3A_415 = arith.constant 0 : i32
        %dma_wait3A_416 = tpu.memref_slice %arg14[%dma_wait3A_409, %dma_wait3A_415] : memref<80x128xi32, #tpu.memory_space<vmem>> -> memref<1x128xi32, #tpu.memory_space<vmem>>
        %dma_wait3A_417 = tpu.memref_squeeze %dma_wait3A_416 : memref<1x128xi32, #tpu.memory_space<vmem>> -> memref<128xi32, #tpu.memory_space<vmem>>
        %dma_wait3A_418 = arith.constant 0 : i32
        %dma_wait3A_419 = arith.constant 0 : i32
        %dma_wait3A_420 = tpu.memref_slice %arg19[%dma_wait3A_418, %dma_wait3A_419] : memref<10112x64xf32, #tpu.memory_space<vmem_shared>> -> memref<10112x64xf32, #tpu.memory_space<vmem_shared>>
        %dma_wait3A_421 = tpu.memref_slice %arg22[%dma_wait3A_410] : memref<4x!tpu.dma_semaphore, #tpu.memory_space<semaphore_mem>> -> memref<1x!tpu.dma_semaphore, #tpu.memory_space<semaphore_mem>>
        %dma_wait3A_422 = tpu.memref_squeeze %dma_wait3A_421 : memref<1x!tpu.dma_semaphore, #tpu.memory_space<semaphore_mem>> -> memref<!tpu.dma_semaphore, #tpu.memory_space<semaphore_mem>>
        tpu.wait_indirect_dma semaphore(%dma_wait3A_422 : memref<!tpu.dma_semaphore, #tpu.memory_space<semaphore_mem>>) src(%dma_wait3A_414 : memref<128x64xf32, #tpu.memory_space<vmem>>) dst(%dma_wait3A_420 : memref<10112x64xf32, #tpu.memory_space<vmem_shared>>)
        %dma_start3A_423 = arith.constant 2 : i32
        %dma_start3A_424 = arith.constant 2 : i32
        %dma_start3A_425 = arith.constant 0 : i32
        %dma_start3A_426 = arith.constant 0 : i32
        %dma_start3A_427 = tpu.memref_slice %arg15[%dma_start3A_423, %dma_start3A_425, %dma_start3A_426] : memref<4x128x64xf32, #tpu.memory_space<vmem>> -> memref<1x128x64xf32, #tpu.memory_space<vmem>>
        %dma_start3A_428 = tpu.memref_squeeze %dma_start3A_427 : memref<1x128x64xf32, #tpu.memory_space<vmem>> -> memref<128x64xf32, #tpu.memory_space<vmem>>
        %dma_start3A_429 = arith.constant 0 : i32
        %dma_start3A_430 = tpu.memref_slice %arg13[%add3A_399, %dma_start3A_429] : memref<80x128xi32, #tpu.memory_space<vmem>> -> memref<1x128xi32, #tpu.memory_space<vmem>>
        %dma_start3A_431 = tpu.memref_squeeze %dma_start3A_430 : memref<1x128xi32, #tpu.memory_space<vmem>> -> memref<128xi32, #tpu.memory_space<vmem>>
        %dma_start3A_432 = arith.constant 0 : i32
        %dma_start3A_433 = arith.constant 0 : i32
        %dma_start3A_434 = tpu.memref_slice %arg2[%dma_start3A_432, %dma_start3A_433] : memref<10000x64xf32, #tpu.memory_space<hbm>> -> memref<10000x64xf32, #tpu.memory_space<hbm>>
        %dma_start3A_435 = tpu.memref_slice %arg21[%dma_start3A_424] : memref<4x!tpu.dma_semaphore, #tpu.memory_space<semaphore_mem>> -> memref<1x!tpu.dma_semaphore, #tpu.memory_space<semaphore_mem>>
        %dma_start3A_436 = tpu.memref_squeeze %dma_start3A_435 : memref<1x!tpu.dma_semaphore, #tpu.memory_space<semaphore_mem>> -> memref<!tpu.dma_semaphore, #tpu.memory_space<semaphore_mem>>
        tpu.enqueue_indirect_dma source(%dma_start3A_434 : memref<10000x64xf32, #tpu.memory_space<hbm>>) target(%dma_start3A_428 : memref<128x64xf32, #tpu.memory_space<vmem>>) offsets(%dma_start3A_431 : memref<128xi32, #tpu.memory_space<vmem>>) semaphore(%dma_start3A_436 : memref<!tpu.dma_semaphore, #tpu.memory_space<semaphore_mem>>)
      } else {
      }
    }
    %scan3A_114 = arith.constant 20 : i32
    %dma_wait3A = arith.constant 0 : i32
    %dma_wait3A_115 = arith.constant 0 : i32
    %dma_wait3A_116 = arith.constant 0 : i32
    %dma_wait3A_117 = arith.constant 0 : i32
    %dma_wait3A_118 = arith.constant 0 : i32
    %dma_wait3A_119 = tpu.memref_slice %arg15[%dma_wait3A, %dma_wait3A_117, %dma_wait3A_118] : memref<4x128x64xf32, #tpu.memory_space<vmem>> -> memref<1x128x64xf32, #tpu.memory_space<vmem>>
    %dma_wait3A_120 = tpu.memref_squeeze %dma_wait3A_119 : memref<1x128x64xf32, #tpu.memory_space<vmem>> -> memref<128x64xf32, #tpu.memory_space<vmem>>
    %dma_wait3A_121 = arith.constant 0 : i32
    %dma_wait3A_122 = tpu.memref_slice %arg14[%dma_wait3A_115, %dma_wait3A_121] : memref<80x128xi32, #tpu.memory_space<vmem>> -> memref<1x128xi32, #tpu.memory_space<vmem>>
    %dma_wait3A_123 = tpu.memref_squeeze %dma_wait3A_122 : memref<1x128xi32, #tpu.memory_space<vmem>> -> memref<128xi32, #tpu.memory_space<vmem>>
    %dma_wait3A_124 = arith.constant 0 : i32
    %dma_wait3A_125 = arith.constant 0 : i32
    %dma_wait3A_126 = tpu.memref_slice %arg19[%dma_wait3A_124, %dma_wait3A_125] : memref<10112x64xf32, #tpu.memory_space<vmem_shared>> -> memref<10112x64xf32, #tpu.memory_space<vmem_shared>>
    %dma_wait3A_127 = tpu.memref_slice %arg22[%dma_wait3A_116] : memref<4x!tpu.dma_semaphore, #tpu.memory_space<semaphore_mem>> -> memref<1x!tpu.dma_semaphore, #tpu.memory_space<semaphore_mem>>
    %dma_wait3A_128 = tpu.memref_squeeze %dma_wait3A_127 : memref<1x!tpu.dma_semaphore, #tpu.memory_space<semaphore_mem>> -> memref<!tpu.dma_semaphore, #tpu.memory_space<semaphore_mem>>
    tpu.wait_indirect_dma semaphore(%dma_wait3A_128 : memref<!tpu.dma_semaphore, #tpu.memory_space<semaphore_mem>>) src(%dma_wait3A_120 : memref<128x64xf32, #tpu.memory_space<vmem>>) dst(%dma_wait3A_126 : memref<10112x64xf32, #tpu.memory_space<vmem_shared>>)
    %dma_wait3A_129 = arith.constant 1 : i32
    %dma_wait3A_130 = arith.constant 0 : i32
    %dma_wait3A_131 = arith.constant 1 : i32
    %dma_wait3A_132 = arith.constant 0 : i32
    %dma_wait3A_133 = arith.constant 0 : i32
    %dma_wait3A_134 = tpu.memref_slice %arg15[%dma_wait3A_129, %dma_wait3A_132, %dma_wait3A_133] : memref<4x128x64xf32, #tpu.memory_space<vmem>> -> memref<1x128x64xf32, #tpu.memory_space<vmem>>
    %dma_wait3A_135 = tpu.memref_squeeze %dma_wait3A_134 : memref<1x128x64xf32, #tpu.memory_space<vmem>> -> memref<128x64xf32, #tpu.memory_space<vmem>>
    %dma_wait3A_136 = arith.constant 0 : i32
    %dma_wait3A_137 = tpu.memref_slice %arg14[%dma_wait3A_130, %dma_wait3A_136] : memref<80x128xi32, #tpu.memory_space<vmem>> -> memref<1x128xi32, #tpu.memory_space<vmem>>
    %dma_wait3A_138 = tpu.memref_squeeze %dma_wait3A_137 : memref<1x128xi32, #tpu.memory_space<vmem>> -> memref<128xi32, #tpu.memory_space<vmem>>
    %dma_wait3A_139 = arith.constant 0 : i32
    %dma_wait3A_140 = arith.constant 0 : i32
    %dma_wait3A_141 = tpu.memref_slice %arg19[%dma_wait3A_139, %dma_wait3A_140] : memref<10112x64xf32, #tpu.memory_space<vmem_shared>> -> memref<10112x64xf32, #tpu.memory_space<vmem_shared>>
    %dma_wait3A_142 = tpu.memref_slice %arg22[%dma_wait3A_131] : memref<4x!tpu.dma_semaphore, #tpu.memory_space<semaphore_mem>> -> memref<1x!tpu.dma_semaphore, #tpu.memory_space<semaphore_mem>>
    %dma_wait3A_143 = tpu.memref_squeeze %dma_wait3A_142 : memref<1x!tpu.dma_semaphore, #tpu.memory_space<semaphore_mem>> -> memref<!tpu.dma_semaphore, #tpu.memory_space<semaphore_mem>>
    tpu.wait_indirect_dma semaphore(%dma_wait3A_143 : memref<!tpu.dma_semaphore, #tpu.memory_space<semaphore_mem>>) src(%dma_wait3A_135 : memref<128x64xf32, #tpu.memory_space<vmem>>) dst(%dma_wait3A_141 : memref<10112x64xf32, #tpu.memory_space<vmem_shared>>)
    %dma_wait3A_144 = arith.constant 2 : i32
    %dma_wait3A_145 = arith.constant 0 : i32
    %dma_wait3A_146 = arith.constant 2 : i32
    %dma_wait3A_147 = arith.constant 0 : i32
    %dma_wait3A_148 = arith.constant 0 : i32
    %dma_wait3A_149 = tpu.memref_slice %arg15[%dma_wait3A_144, %dma_wait3A_147, %dma_wait3A_148] : memref<4x128x64xf32, #tpu.memory_space<vmem>> -> memref<1x128x64xf32, #tpu.memory_space<vmem>>
    %dma_wait3A_150 = tpu.memref_squeeze %dma_wait3A_149 : memref<1x128x64xf32, #tpu.memory_space<vmem>> -> memref<128x64xf32, #tpu.memory_space<vmem>>
    %dma_wait3A_151 = arith.constant 0 : i32
    %dma_wait3A_152 = tpu.memref_slice %arg14[%dma_wait3A_145, %dma_wait3A_151] : memref<80x128xi32, #tpu.memory_space<vmem>> -> memref<1x128xi32, #tpu.memory_space<vmem>>
    %dma_wait3A_153 = tpu.memref_squeeze %dma_wait3A_152 : memref<1x128xi32, #tpu.memory_space<vmem>> -> memref<128xi32, #tpu.memory_space<vmem>>
    %dma_wait3A_154 = arith.constant 0 : i32
    %dma_wait3A_155 = arith.constant 0 : i32
    %dma_wait3A_156 = tpu.memref_slice %arg19[%dma_wait3A_154, %dma_wait3A_155] : memref<10112x64xf32, #tpu.memory_space<vmem_shared>> -> memref<10112x64xf32, #tpu.memory_space<vmem_shared>>
    %dma_wait3A_157 = tpu.memref_slice %arg22[%dma_wait3A_146] : memref<4x!tpu.dma_semaphore, #tpu.memory_space<semaphore_mem>> -> memref<1x!tpu.dma_semaphore, #tpu.memory_space<semaphore_mem>>
    %dma_wait3A_158 = tpu.memref_squeeze %dma_wait3A_157 : memref<1x!tpu.dma_semaphore, #tpu.memory_space<semaphore_mem>> -> memref<!tpu.dma_semaphore, #tpu.memory_space<semaphore_mem>>
    tpu.wait_indirect_dma semaphore(%dma_wait3A_158 : memref<!tpu.dma_semaphore, #tpu.memory_space<semaphore_mem>>) src(%dma_wait3A_150 : memref<128x64xf32, #tpu.memory_space<vmem>>) dst(%dma_wait3A_156 : memref<10112x64xf32, #tpu.memory_space<vmem_shared>>)
    %dma_wait3A_159 = arith.constant 3 : i32
    %dma_wait3A_160 = arith.constant 0 : i32
    %dma_wait3A_161 = arith.constant 3 : i32
    %dma_wait3A_162 = arith.constant 0 : i32
    %dma_wait3A_163 = arith.constant 0 : i32
    %dma_wait3A_164 = tpu.memref_slice %arg15[%dma_wait3A_159, %dma_wait3A_162, %dma_wait3A_163] : memref<4x128x64xf32, #tpu.memory_space<vmem>> -> memref<1x128x64xf32, #tpu.memory_space<vmem>>
    %dma_wait3A_165 = tpu.memref_squeeze %dma_wait3A_164 : memref<1x128x64xf32, #tpu.memory_space<vmem>> -> memref<128x64xf32, #tpu.memory_space<vmem>>
    %dma_wait3A_166 = arith.constant 0 : i32
    %dma_wait3A_167 = tpu.memref_slice %arg14[%dma_wait3A_160, %dma_wait3A_166] : memref<80x128xi32, #tpu.memory_space<vmem>> -> memref<1x128xi32, #tpu.memory_space<vmem>>
    %dma_wait3A_168 = tpu.memref_squeeze %dma_wait3A_167 : memref<1x128xi32, #tpu.memory_space<vmem>> -> memref<128xi32, #tpu.memory_space<vmem>>
    %dma_wait3A_169 = arith.constant 0 : i32
    %dma_wait3A_170 = arith.constant 0 : i32
    %dma_wait3A_171 = tpu.memref_slice %arg19[%dma_wait3A_169, %dma_wait3A_170] : memref<10112x64xf32, #tpu.memory_space<vmem_shared>> -> memref<10112x64xf32, #tpu.memory_space<vmem_shared>>
    %dma_wait3A_172 = tpu.memref_slice %arg22[%dma_wait3A_161] : memref<4x!tpu.dma_semaphore, #tpu.memory_space<semaphore_mem>> -> memref<1x!tpu.dma_semaphore, #tpu.memory_space<semaphore_mem>>
    %dma_wait3A_173 = tpu.memref_squeeze %dma_wait3A_172 : memref<1x!tpu.dma_semaphore, #tpu.memory_space<semaphore_mem>> -> memref<!tpu.dma_semaphore, #tpu.memory_space<semaphore_mem>>
    tpu.wait_indirect_dma semaphore(%dma_wait3A_173 : memref<!tpu.dma_semaphore, #tpu.memory_space<semaphore_mem>>) src(%dma_wait3A_165 : memref<128x64xf32, #tpu.memory_space<vmem>>) dst(%dma_wait3A_171 : memref<10112x64xf32, #tpu.memory_space<vmem_shared>>)
    %dma_wait3A_174 = arith.constant 0 : i32
    %dma_wait3A_175 = tpu.memref_slice %arg20[%dma_wait3A_174] : memref<10112xf32, #tpu.memory_space<vmem_shared>> -> memref<512xf32, #tpu.memory_space<vmem_shared>>
    %dma_wait3A_176 = arith.constant 0 : i32
    %dma_wait3A_177 = tpu.memref_slice %arg9[%dma_wait3A_176] : memref<10112xf32, #tpu.memory_space<hbm>> -> memref<512xf32, #tpu.memory_space<hbm>>
    tpu.wait_dma2 semaphore(%arg23 : memref<!tpu.dma_semaphore, #tpu.memory_space<semaphore_mem>>) src(%dma_wait3A_177 : memref<512xf32, #tpu.memory_space<hbm>>) dst(%dma_wait3A_175 : memref<512xf32, #tpu.memory_space<vmem_shared>>)
    %mul3A_178 = arith.constant 16 : i32
    %mul3A_179 = arith.muli %add3A, %mul3A_178 : i32
    "tpu.region"() ({
      %run_scoped3A = tpu.sem_alloc : memref<!tpu.dma_semaphore, #tpu.memory_space<semaphore_mem>>
      %dma_start3A_193 = arith.constant 0 : i32
      %dma_start3A_194 = tpu.memref_slice %arg5[%mul3A_179, %dma_start3A_193] : memref<512x128xi32, #tpu.memory_space<hbm>> -> memref<16x128xi32, #tpu.memory_space<hbm>>
      %dma_start3A_195 = arith.constant 0 : i32
      %dma_start3A_196 = tpu.memref_slice %arg5[%mul3A_179, %dma_start3A_195] : memref<512x128xi32, #tpu.memory_space<hbm>> -> memref<16x128xi32, #tpu.memory_space<hbm>>
      tpu.enqueue_dma source(%dma_start3A_196 : memref<16x128xi32, #tpu.memory_space<hbm>>) target(%arg17 : memref<16x128xi32, #tpu.memory_space<vmem>>) target_semaphore(%run_scoped3A : memref<!tpu.dma_semaphore, #tpu.memory_space<semaphore_mem>>)
      %dma_wait3A_197 = arith.constant 0 : i32
      %dma_wait3A_198 = tpu.memref_slice %arg5[%mul3A_179, %dma_wait3A_197] : memref<512x128xi32, #tpu.memory_space<hbm>> -> memref<16x128xi32, #tpu.memory_space<hbm>>
      %dma_wait3A_199 = arith.constant 0 : i32
      %dma_wait3A_200 = tpu.memref_slice %arg5[%mul3A_179, %dma_wait3A_199] : memref<512x128xi32, #tpu.memory_space<hbm>> -> memref<16x128xi32, #tpu.memory_space<hbm>>
      tpu.wait_dma2 semaphore(%run_scoped3A : memref<!tpu.dma_semaphore, #tpu.memory_space<semaphore_mem>>) src(%dma_wait3A_200 : memref<16x128xi32, #tpu.memory_space<hbm>>) dst(%arg17 : memref<16x128xi32, #tpu.memory_space<vmem>>)
      tpu.yield
    }) : () -> ()
    %lt3A = arith.constant 24 : i32
    %lt3A_180 = arith.cmpi slt, %add3A, %lt3A : i32
    %convert_element_type3A = arith.extui %lt3A_180 : i1 to i32
    %cond3A = arith.constant 0 : i32
    %cond3A_181 = arith.cmpi ne, %convert_element_type3A, %cond3A : i32
    scf.if %cond3A_181 {
      %scan3A_193 = arith.constant 0 : i32
      %scan3A_194 = arith.constant 0 : i32
      %scan3A_195 = arith.constant 16 : i32
      %scan3A_196 = arith.addi %scan3A_194, %scan3A_195 : i32
      %scan3A_197 = arith.constant 1 : i32
      scf.for %scan3A_199 = %scan3A_194 to %scan3A_196 step %scan3A_197  : i32 {
        "tpu.region"() ({
          %run_scoped3A = tpu.sem_alloc : memref<!tpu.dma_semaphore, #tpu.memory_space<semaphore_mem>>
          %dma_start3A_200 = arith.constant 0 : i32
          %dma_start3A_201 = tpu.memref_slice %arg18[%scan3A_199, %dma_start3A_200] : memref<16x128xi32, #tpu.memory_space<vmem>> -> memref<1x128xi32, #tpu.memory_space<vmem>>
          %dma_start3A_202 = tpu.memref_squeeze %dma_start3A_201 : memref<1x128xi32, #tpu.memory_space<vmem>> -> memref<128xi32, #tpu.memory_space<vmem>>
          %dma_start3A_203 = arith.constant 0 : i32
          %dma_start3A_204 = tpu.memref_slice %arg17[%scan3A_199, %dma_start3A_203] : memref<16x128xi32, #tpu.memory_space<vmem>> -> memref<1x128xi32, #tpu.memory_space<vmem>>
          %dma_start3A_205 = tpu.memref_squeeze %dma_start3A_204 : memref<1x128xi32, #tpu.memory_space<vmem>> -> memref<128xi32, #tpu.memory_space<vmem>>
          %dma_start3A_206 = arith.constant 0 : i32
          %dma_start3A_207 = tpu.memref_slice %arg6[%dma_start3A_206] : memref<50000xi32, #tpu.memory_space<hbm>> -> memref<50000xi32, #tpu.memory_space<hbm>>
          tpu.enqueue_indirect_dma source(%dma_start3A_207 : memref<50000xi32, #tpu.memory_space<hbm>>) target(%dma_start3A_202 : memref<128xi32, #tpu.memory_space<vmem>>) offsets(%dma_start3A_205 : memref<128xi32, #tpu.memory_space<vmem>>) semaphore(%run_scoped3A : memref<!tpu.dma_semaphore, #tpu.memory_space<semaphore_mem>>)
          %dma_wait3A_208 = arith.constant 0 : i32
          %dma_wait3A_209 = tpu.memref_slice %arg18[%scan3A_199, %dma_wait3A_208] : memref<16x128xi32, #tpu.memory_space<vmem>> -> memref<1x128xi32, #tpu.memory_space<vmem>>
          %dma_wait3A_210 = tpu.memref_squeeze %dma_wait3A_209 : memref<1x128xi32, #tpu.memory_space<vmem>> -> memref<128xi32, #tpu.memory_space<vmem>>
          %dma_wait3A_211 = arith.constant 0 : i32
          %dma_wait3A_212 = tpu.memref_slice %arg17[%scan3A_199, %dma_wait3A_211] : memref<16x128xi32, #tpu.memory_space<vmem>> -> memref<1x128xi32, #tpu.memory_space<vmem>>
          %dma_wait3A_213 = tpu.memref_squeeze %dma_wait3A_212 : memref<1x128xi32, #tpu.memory_space<vmem>> -> memref<128xi32, #tpu.memory_space<vmem>>
          %dma_wait3A_214 = arith.constant 0 : i32
          %dma_wait3A_215 = tpu.memref_slice %arg6[%dma_wait3A_214] : memref<50000xi32, #tpu.memory_space<hbm>> -> memref<50000xi32, #tpu.memory_space<hbm>>
          tpu.wait_indirect_dma semaphore(%run_scoped3A : memref<!tpu.dma_semaphore, #tpu.memory_space<semaphore_mem>>) src(%dma_wait3A_215 : memref<50000xi32, #tpu.memory_space<hbm>>) dst(%dma_wait3A_210 : memref<128xi32, #tpu.memory_space<vmem>>)
          tpu.yield
        }) : () -> ()
      }
      %scan3A_198 = arith.constant 16 : i32
    } else {
    }
    %ge3A = arith.constant 24 : i32
    %ge3A_182 = arith.cmpi sge, %add3A, %ge3A : i32
    %convert_element_type3A_183 = arith.extui %ge3A_182 : i1 to i32
    %cond3A_184 = arith.constant 0 : i32
    %cond3A_185 = arith.cmpi ne, %convert_element_type3A_183, %cond3A_184 : i32
    scf.if %cond3A_185 {
      %scan3A_193 = arith.constant 0 : i32
      %scan3A_194 = arith.constant 0 : i32
      %scan3A_195 = arith.constant 16 : i32
      %scan3A_196 = arith.addi %scan3A_194, %scan3A_195 : i32
      %scan3A_197 = arith.constant 1 : i32
      scf.for %scan3A_199 = %scan3A_194 to %scan3A_196 step %scan3A_197  : i32 {
        "tpu.region"() ({
          %run_scoped3A = tpu.sem_alloc : memref<!tpu.dma_semaphore, #tpu.memory_space<semaphore_mem>>
          %dma_start3A_200 = arith.constant 0 : i32
          %dma_start3A_201 = tpu.memref_slice %arg18[%scan3A_199, %dma_start3A_200] : memref<16x128xi32, #tpu.memory_space<vmem>> -> memref<1x128xi32, #tpu.memory_space<vmem>>
          %dma_start3A_202 = tpu.memref_squeeze %dma_start3A_201 : memref<1x128xi32, #tpu.memory_space<vmem>> -> memref<128xi32, #tpu.memory_space<vmem>>
          %dma_start3A_203 = arith.constant 0 : i32
          %dma_start3A_204 = tpu.memref_slice %arg17[%scan3A_199, %dma_start3A_203] : memref<16x128xi32, #tpu.memory_space<vmem>> -> memref<1x128xi32, #tpu.memory_space<vmem>>
          %dma_start3A_205 = tpu.memref_squeeze %dma_start3A_204 : memref<1x128xi32, #tpu.memory_space<vmem>> -> memref<128xi32, #tpu.memory_space<vmem>>
          %dma_start3A_206 = arith.constant 0 : i32
          %dma_start3A_207 = tpu.memref_slice %arg7[%dma_start3A_206] : memref<50000xi32, #tpu.memory_space<hbm>> -> memref<50000xi32, #tpu.memory_space<hbm>>
          tpu.enqueue_indirect_dma source(%dma_start3A_207 : memref<50000xi32, #tpu.memory_space<hbm>>) target(%dma_start3A_202 : memref<128xi32, #tpu.memory_space<vmem>>) offsets(%dma_start3A_205 : memref<128xi32, #tpu.memory_space<vmem>>) semaphore(%run_scoped3A : memref<!tpu.dma_semaphore, #tpu.memory_space<semaphore_mem>>)
          %dma_wait3A_208 = arith.constant 0 : i32
          %dma_wait3A_209 = tpu.memref_slice %arg18[%scan3A_199, %dma_wait3A_208] : memref<16x128xi32, #tpu.memory_space<vmem>> -> memref<1x128xi32, #tpu.memory_space<vmem>>
          %dma_wait3A_210 = tpu.memref_squeeze %dma_wait3A_209 : memref<1x128xi32, #tpu.memory_space<vmem>> -> memref<128xi32, #tpu.memory_space<vmem>>
          %dma_wait3A_211 = arith.constant 0 : i32
          %dma_wait3A_212 = tpu.memref_slice %arg17[%scan3A_199, %dma_wait3A_211] : memref<16x128xi32, #tpu.memory_space<vmem>> -> memref<1x128xi32, #tpu.memory_space<vmem>>
          %dma_wait3A_213 = tpu.memref_squeeze %dma_wait3A_212 : memref<1x128xi32, #tpu.memory_space<vmem>> -> memref<128xi32, #tpu.memory_space<vmem>>
          %dma_wait3A_214 = arith.constant 0 : i32
          %dma_wait3A_215 = tpu.memref_slice %arg7[%dma_wait3A_214] : memref<50000xi32, #tpu.memory_space<hbm>> -> memref<50000xi32, #tpu.memory_space<hbm>>
          tpu.wait_indirect_dma semaphore(%run_scoped3A : memref<!tpu.dma_semaphore, #tpu.memory_space<semaphore_mem>>) src(%dma_wait3A_215 : memref<50000xi32, #tpu.memory_space<hbm>>) dst(%dma_wait3A_210 : memref<128xi32, #tpu.memory_space<vmem>>)
          tpu.yield
        }) : () -> ()
      }
      %scan3A_198 = arith.constant 16 : i32
    } else {
    }
    "tpu.region"() ({
      %run_scoped3A = tpu.sem_alloc : memref<!tpu.dma_semaphore, #tpu.memory_space<semaphore_mem>>
      %dma_start3A_193 = arith.constant 0 : i32
      %dma_start3A_194 = tpu.memref_slice %arg12[%mul3A_179, %dma_start3A_193] : memref<512x128xi32, #tpu.memory_space<hbm>> -> memref<16x128xi32, #tpu.memory_space<hbm>>
      %dma_start3A_195 = arith.constant 0 : i32
      %dma_start3A_196 = tpu.memref_slice %arg12[%mul3A_179, %dma_start3A_195] : memref<512x128xi32, #tpu.memory_space<hbm>> -> memref<16x128xi32, #tpu.memory_space<hbm>>
      tpu.enqueue_dma source(%arg18 : memref<16x128xi32, #tpu.memory_space<vmem>>) target(%dma_start3A_196 : memref<16x128xi32, #tpu.memory_space<hbm>>) target_semaphore(%run_scoped3A : memref<!tpu.dma_semaphore, #tpu.memory_space<semaphore_mem>>)
      %dma_wait3A_197 = arith.constant 0 : i32
      %dma_wait3A_198 = tpu.memref_slice %arg12[%mul3A_179, %dma_wait3A_197] : memref<512x128xi32, #tpu.memory_space<hbm>> -> memref<16x128xi32, #tpu.memory_space<hbm>>
      %dma_wait3A_199 = arith.constant 0 : i32
      %dma_wait3A_200 = tpu.memref_slice %arg12[%mul3A_179, %dma_wait3A_199] : memref<512x128xi32, #tpu.memory_space<hbm>> -> memref<16x128xi32, #tpu.memory_space<hbm>>
      tpu.wait_dma2 semaphore(%run_scoped3A : memref<!tpu.dma_semaphore, #tpu.memory_space<semaphore_mem>>) src(%arg18 : memref<16x128xi32, #tpu.memory_space<vmem>>) dst(%dma_wait3A_200 : memref<16x128xi32, #tpu.memory_space<hbm>>)
      tpu.yield
    }) : () -> ()
    %barrier3A_186 = arith.constant 0 : index
    tpu.barrier barrier_id(%barrier3A_186)
    %mul3A_187 = arith.constant 16000 : i32
    %mul3A_188 = arith.muli %arg0, %mul3A_187 : i32
    %add3A_189 = arith.addi %mul3A_188, %mul3A_2 : i32
    "tpu.region"() ({
      %run_scoped3A = tpu.sem_alloc : memref<!tpu.dma_semaphore, #tpu.memory_space<semaphore_mem>>
      %dma_start3A_193 = arith.constant 0 : i32
      %dma_start3A_194 = tpu.memref_slice %arg10[%add3A_189, %dma_start3A_193] : memref<32000x64xf32, #tpu.memory_space<hbm>> -> memref<632x64xf32, #tpu.memory_space<hbm>>
      %dma_start3A_195 = arith.constant 0 : i32
      %dma_start3A_196 = tpu.memref_slice %arg19[%mul3A_2, %dma_start3A_195] : memref<10112x64xf32, #tpu.memory_space<vmem_shared>> -> memref<632x64xf32, #tpu.memory_space<vmem_shared>>
      tpu.enqueue_dma source(%dma_start3A_196 : memref<632x64xf32, #tpu.memory_space<vmem_shared>>) target(%dma_start3A_194 : memref<632x64xf32, #tpu.memory_space<hbm>>) target_semaphore(%run_scoped3A : memref<!tpu.dma_semaphore, #tpu.memory_space<semaphore_mem>>)
      %dma_wait3A_197 = arith.constant 0 : i32
      %dma_wait3A_198 = tpu.memref_slice %arg10[%add3A_189, %dma_wait3A_197] : memref<32000x64xf32, #tpu.memory_space<hbm>> -> memref<632x64xf32, #tpu.memory_space<hbm>>
      %dma_wait3A_199 = arith.constant 0 : i32
      %dma_wait3A_200 = tpu.memref_slice %arg19[%mul3A_2, %dma_wait3A_199] : memref<10112x64xf32, #tpu.memory_space<vmem_shared>> -> memref<632x64xf32, #tpu.memory_space<vmem_shared>>
      tpu.wait_dma2 semaphore(%run_scoped3A : memref<!tpu.dma_semaphore, #tpu.memory_space<semaphore_mem>>) src(%dma_wait3A_200 : memref<632x64xf32, #tpu.memory_space<vmem_shared>>) dst(%dma_wait3A_198 : memref<632x64xf32, #tpu.memory_space<hbm>>)
      tpu.yield
    }) : () -> ()
    %mul3A_190 = arith.constant 16000 : i32
    %mul3A_191 = arith.muli %arg0, %mul3A_190 : i32
    %add3A_192 = arith.addi %mul3A_191, %mul3A_2 : i32
    "tpu.region"() ({
      %run_scoped3A = tpu.sem_alloc : memref<!tpu.dma_semaphore, #tpu.memory_space<semaphore_mem>>
      %dma_start3A_193 = tpu.memref_slice %arg11[%add3A_192] : memref<32000xf32, #tpu.memory_space<hbm>> -> memref<632xf32, #tpu.memory_space<hbm>>
      %dma_start3A_194 = tpu.memref_slice %arg20[%mul3A_2] : memref<10112xf32, #tpu.memory_space<vmem_shared>> -> memref<632xf32, #tpu.memory_space<vmem_shared>>
      tpu.enqueue_dma source(%dma_start3A_194 : memref<632xf32, #tpu.memory_space<vmem_shared>>) target(%dma_start3A_193 : memref<632xf32, #tpu.memory_space<hbm>>) target_semaphore(%run_scoped3A : memref<!tpu.dma_semaphore, #tpu.memory_space<semaphore_mem>>)
      %dma_wait3A_195 = tpu.memref_slice %arg11[%add3A_192] : memref<32000xf32, #tpu.memory_space<hbm>> -> memref<632xf32, #tpu.memory_space<hbm>>
      %dma_wait3A_196 = tpu.memref_slice %arg20[%mul3A_2] : memref<10112xf32, #tpu.memory_space<vmem_shared>> -> memref<632xf32, #tpu.memory_space<vmem_shared>>
      tpu.wait_dma2 semaphore(%run_scoped3A : memref<!tpu.dma_semaphore, #tpu.memory_space<semaphore_mem>>) src(%dma_wait3A_196 : memref<632xf32, #tpu.memory_space<vmem_shared>>) dst(%dma_wait3A_195 : memref<632xf32, #tpu.memory_space<hbm>>)
      tpu.yield
    }) : () -> ()
    return
  }
}

module attributes {stable_mosaic.version = 14 : i64} {
  func.func @_encoder_body(%arg0: i32, %arg1: memref<2000x128xf32, #tpu.memory_space<vmem>>, %arg2: memref<128x64xf32, #tpu.memory_space<vmem>>, %arg3: memref<1x64xf32, #tpu.memory_space<vmem>>, %arg4: memref<2000x64xf32, #tpu.memory_space<vmem>>) attributes {dimension_semantics = [#tpu.dimension_semantics<arbitrary>], iteration_bounds = array<i64: 5>, scalar_prefetch = 0 : i64, scratch_operands = 0 : i64, tpu.core_type = #tpu.core_type<tc>, window_params = [{transform_indices = @transform_0, window_bounds = array<i64: 2000, 128>}, {pipeline_mode = #tpu.pipeline_mode<synchronous>, transform_indices = @transform_1, window_bounds = array<i64: 128, 64>}, {pipeline_mode = #tpu.pipeline_mode<synchronous>, transform_indices = @transform_2, window_bounds = array<i64: 1, 64>}, {transform_indices = @transform_3, window_bounds = array<i64: 2000, 64>}]} {
    %get3A = arith.constant 0 : index
    %get3A_0 = arith.constant 0 : index
    %get3A_1 = vector.load %arg1[%get3A, %get3A_0] : memref<2000x128xf32, #tpu.memory_space<vmem>>, vector<2000x128xf32>
    %get3A_2 = arith.constant 0 : index
    %get3A_3 = arith.constant 0 : index
    %get3A_4 = vector.load %arg2[%get3A_2, %get3A_3] : memref<128x64xf32, #tpu.memory_space<vmem>>, vector<128x64xf32>
    %dot_general3A = arith.constant dense<0.000000e+00> : vector<2000x64xf32>
    %dot_general3A_5 = tpu.matmul %get3A_1, %get3A_4, %dot_general3A {dimension_numbers = #tpu.dot_dimension_numbers<[1], [0], [0], [1], [0, 0, 1, 1], [], []>, transpose_lhs_hint = false} : vector<2000x128xf32>, vector<128x64xf32>, vector<2000x64xf32> -> vector<2000x64xf32>
    %get3A_6 = arith.constant 0 : index
    %get3A_7 = arith.constant 0 : index
    %get3A_8 = vector.load %arg3[%get3A_6, %get3A_7] : memref<1x64xf32, #tpu.memory_space<vmem>>, vector<1x64xf32>
    %add3A = vector.broadcast %get3A_8 : vector<1x64xf32> to vector<2000x64xf32>
    %add3A_9 = arith.addf %dot_general3A_5, %add3A : vector<2000x64xf32>
    %max3A = arith.constant 0.000000e+00 : f32
    %max3A_10 = vector.broadcast %max3A : f32 to vector<2000x64xf32>
    %max3A_11 = arith.maximumf %add3A_9, %max3A_10 : vector<2000x64xf32>
    %mul3A = arith.mulf %max3A_11, %max3A_11 : vector<2000x64xf32>
    %reduce_sum3A = arith.constant dense<0.000000e+00> : vector<2000xf32>
    %reduce_sum3A_12 = vector.multi_reduction <add>, %mul3A, %reduce_sum3A [1] : vector<2000x64xf32> to vector<2000xf32>
    %broadcast_in_dim3A = vector.shape_cast %reduce_sum3A_12 : vector<2000xf32> to vector<2000x1xf32>
    %sqrt3A = math.sqrt %broadcast_in_dim3A : vector<2000x1xf32>
    %max3A_13 = arith.constant 9.99999996E-13 : f32
    %max3A_14 = vector.broadcast %max3A_13 : f32 to vector<2000x1xf32>
    %max3A_15 = arith.maximumf %sqrt3A, %max3A_14 : vector<2000x1xf32>
    %div3A = vector.broadcast %max3A_15 : vector<2000x1xf32> to vector<2000x64xf32>
    %div3A_16 = arith.divf %max3A_11, %div3A : vector<2000x64xf32>
    %swap3A = arith.constant 0 : index
    %swap3A_17 = arith.constant 0 : index
    %swap3A_18 = vector.load %arg4[%swap3A, %swap3A_17] : memref<2000x64xf32, #tpu.memory_space<vmem>>, vector<2000x64xf32>
    tpu.vector_store %arg4[%swap3A, %swap3A_17], %div3A_16 {strides = array<i32>} : memref<2000x64xf32, #tpu.memory_space<vmem>>, vector<2000x64xf32>,
    return
  }
  func.func @transform_0(%arg0: i32) -> (i32, i32) {
    %c0_i32 = arith.constant 0 : i32
    %c0_i32_0 = arith.constant 0 : i32
    return %arg0, %c0_i32 : i32, i32
  }
  func.func @transform_1(%arg0: i32) -> (i32, i32) {
    %c0_i32 = arith.constant 0 : i32
    %c0_i32_0 = arith.constant 0 : i32
    %c0_i32_1 = arith.constant 0 : i32
    return %c0_i32, %c0_i32_0 : i32, i32
  }
  func.func @transform_2(%arg0: i32) -> (i32, i32) {
    %c0_i32 = arith.constant 0 : i32
    %c0_i32_0 = arith.constant 0 : i32
    %c0_i32_1 = arith.constant 0 : i32
    return %c0_i32, %c0_i32_0 : i32, i32
  }
  func.func @transform_3(%arg0: i32) -> (i32, i32) {
    %c0_i32 = arith.constant 0 : i32
    %c0_i32_0 = arith.constant 0 : i32
    return %arg0, %c0_i32 : i32, i32
  }
}

module attributes {stable_mosaic.version = 14 : i64} {
  func.func @_final_body(%arg0: i32, %arg1: memref<2000x64xf32, #tpu.memory_space<vmem>>, %arg2: memref<2000x64xf32, #tpu.memory_space<vmem>>, %arg3: memref<2000x64xf32, #tpu.memory_space<vmem>>, %arg4: memref<2000x1xf32, #tpu.memory_space<vmem>>, %arg5: memref<2000x1xf32, #tpu.memory_space<vmem>>, %arg6: memref<2000x1xf32, #tpu.memory_space<vmem>>, %arg7: memref<2000x1xf32, #tpu.memory_space<vmem>>, %arg8: memref<256x128xf32, #tpu.memory_space<vmem>>, %arg9: memref<1x64xf32, #tpu.memory_space<vmem>>, %arg10: memref<2000x1xf32, #tpu.memory_space<vmem>>, %arg11: memref<1x1xf32, #tpu.memory_space<vmem>>, %arg12: memref<8xf32, #tpu.memory_space<smem>>) attributes {dimension_semantics = [#tpu.dimension_semantics<arbitrary>], iteration_bounds = array<i64: 5>, scalar_prefetch = 0 : i64, scratch_operands = 1 : i64, tpu.core_type = #tpu.core_type<tc>, window_params = [{transform_indices = @transform_0, window_bounds = array<i64: 2000, 64>}, {transform_indices = @transform_1, window_bounds = array<i64: 2000, 64>}, {transform_indices = @transform_2, window_bounds = array<i64: 2000, 64>}, {transform_indices = @transform_3, window_bounds = array<i64: 2000, 1>}, {transform_indices = @transform_4, window_bounds = array<i64: 2000, 1>}, {transform_indices = @transform_5, window_bounds = array<i64: 2000, 1>}, {transform_indices = @transform_6, window_bounds = array<i64: 2000, 1>}, {pipeline_mode = #tpu.pipeline_mode<synchronous>, transform_indices = @transform_7, window_bounds = array<i64: 256, 128>}, {pipeline_mode = #tpu.pipeline_mode<synchronous>, transform_indices = @transform_8, window_bounds = array<i64: 1, 64>}, {transform_indices = @transform_9, window_bounds = array<i64: 2000, 1>}, {pipeline_mode = #tpu.pipeline_mode<synchronous>, transform_indices = @transform_10, window_bounds = array<i64: 1, 1>}]} {
    %eq3A = arith.constant 0 : i32
    %eq3A_0 = arith.cmpi eq, %arg0, %eq3A : i32
    %convert_element_type3A = arith.extui %eq3A_0 : i1 to i32
    %cond3A = arith.constant 0 : i32
    %cond3A_1 = arith.cmpi ne, %convert_element_type3A, %cond3A : i32
    scf.if %cond3A_1 {
      %get3A_139 = arith.constant 0 : index
      %get3A_140 = arith.constant 0 : index
      %get3A_141 = vector.load %arg8[%get3A_139, %get3A_140] : memref<256x128xf32, #tpu.memory_space<vmem>>, vector<256x128xf32>
      %iota3A = tpu.iota {dimensions = array<i32: 0>} : vector<256x128xi32>
      %iota3A_142 = tpu.iota {dimensions = array<i32: 1>} : vector<256x128xi32>
      %mul3A_143 = arith.constant 128 : i32
      %mul3A_144 = vector.broadcast %mul3A_143 : i32 to vector<256x128xi32>
      %mul3A_145 = arith.muli %iota3A, %mul3A_144 : vector<256x128xi32>
      %add3A_146 = arith.addi %mul3A_145, %iota3A_142 : vector<256x128xi32>
      %lt3A = arith.constant 25000 : i32
      %lt3A_147 = vector.broadcast %lt3A : i32 to vector<256x128xi32>
      %lt3A_148 = arith.cmpi slt, %add3A_146, %lt3A_147 : vector<256x128xi32>
      %jit3A_149 = arith.constant 0.000000e+00 : f32
      %broadcast_in_dim3A_150 = vector.broadcast %jit3A_149 : f32 to vector<256x128xf32>
      %select_n3A_151 = arith.select %lt3A_148, %get3A_141, %broadcast_in_dim3A_150 : vector<256x128xi1>, vector<256x128xf32>
      %reduce_sum3A_152 = vector.shape_cast %select_n3A_151 : vector<256x128xf32> to vector<1x256x128xf32>
      %reduce_sum3A_153 = arith.constant dense<0.000000e+00> : vector<1xf32>
      %reduce_sum3A_154 = vector.multi_reduction <add>, %reduce_sum3A_152, %reduce_sum3A_153 [1, 2] : vector<1x256x128xf32> to vector<1xf32>
      %reduce_sum3A_155 = vector.shape_cast %reduce_sum3A_154 : vector<1xf32> to vector<1x1x1xf32>
      %reduce_sum3A_156 = vector.extract %reduce_sum3A_155[0, 0, 0] : f32 from vector<1x1x1xf32>
      %mul3A_157 = arith.mulf %get3A_141, %get3A_141 : vector<256x128xf32>
      %jit3A_158 = arith.constant 0.000000e+00 : f32
      %broadcast_in_dim3A_159 = vector.broadcast %jit3A_158 : f32 to vector<256x128xf32>
      %select_n3A_160 = arith.select %lt3A_148, %mul3A_157, %broadcast_in_dim3A_159 : vector<256x128xi1>, vector<256x128xf32>
      %reduce_sum3A_161 = vector.shape_cast %select_n3A_160 : vector<256x128xf32> to vector<1x256x128xf32>
      %reduce_sum3A_162 = arith.constant dense<0.000000e+00> : vector<1xf32>
      %reduce_sum3A_163 = vector.multi_reduction <add>, %reduce_sum3A_161, %reduce_sum3A_162 [1, 2] : vector<1x256x128xf32> to vector<1xf32>
      %reduce_sum3A_164 = vector.shape_cast %reduce_sum3A_163 : vector<1xf32> to vector<1x1x1xf32>
      %reduce_sum3A_165 = vector.extract %reduce_sum3A_164[0, 0, 0] : f32 from vector<1x1x1xf32>
      %div3A_166 = arith.constant 2.500000e+04 : f32
      %div3A_167 = arith.divf %reduce_sum3A_156, %div3A_166 : f32
      %mul3A_168 = arith.mulf %reduce_sum3A_156, %reduce_sum3A_156 : f32
      %div3A_169 = arith.constant 2.500000e+04 : f32
      %div3A_170 = arith.divf %mul3A_168, %div3A_169 : f32
      %sub3A_171 = arith.subf %reduce_sum3A_165, %div3A_170 : f32
      %sub3A_172 = arith.constant 2.500000e+04 : f32
      %sub3A_173 = arith.constant 1.000000e+00 : f32
      %sub3A_174 = arith.subf %sub3A_172, %sub3A_173 : f32
      %div3A_175 = arith.divf %sub3A_171, %sub3A_174 : f32
      %swap3A_176 = arith.constant 4 : index
      %swap3A_177 = memref.load %arg12[%swap3A_176] : memref<8xf32, #tpu.memory_space<smem>>
      memref.store %div3A_167, %arg12[%swap3A_176] : memref<8xf32, #tpu.memory_space<smem>>
      %sqrt3A = math.sqrt %div3A_175 : f32
      %swap3A_178 = arith.constant 5 : index
      %swap3A_179 = memref.load %arg12[%swap3A_178] : memref<8xf32, #tpu.memory_space<smem>>
      memref.store %sqrt3A, %arg12[%swap3A_178] : memref<8xf32, #tpu.memory_space<smem>>
      %swap3A_180 = arith.constant 0.000000e+00 : f32
      %swap3A_181 = arith.constant 0 : index
      %swap3A_182 = memref.load %arg12[%swap3A_181] : memref<8xf32, #tpu.memory_space<smem>>
      memref.store %swap3A_180, %arg12[%swap3A_181] : memref<8xf32, #tpu.memory_space<smem>>
      %swap3A_183 = arith.constant 0.000000e+00 : f32
      %swap3A_184 = arith.constant 1 : index
      %swap3A_185 = memref.load %arg12[%swap3A_184] : memref<8xf32, #tpu.memory_space<smem>>
      memref.store %swap3A_183, %arg12[%swap3A_184] : memref<8xf32, #tpu.memory_space<smem>>
      %swap3A_186 = arith.constant 0.000000e+00 : f32
      %swap3A_187 = arith.constant 2 : index
      %swap3A_188 = memref.load %arg12[%swap3A_187] : memref<8xf32, #tpu.memory_space<smem>>
      memref.store %swap3A_186, %arg12[%swap3A_187] : memref<8xf32, #tpu.memory_space<smem>>
      %swap3A_189 = arith.constant 0.000000e+00 : f32
      %swap3A_190 = arith.constant 3 : index
      %swap3A_191 = memref.load %arg12[%swap3A_190] : memref<8xf32, #tpu.memory_space<smem>>
      memref.store %swap3A_189, %arg12[%swap3A_190] : memref<8xf32, #tpu.memory_space<smem>>
    } else {
    }
    %get3A = arith.constant 4 : index
    %get3A_2 = memref.load %arg12[%get3A] : memref<8xf32, #tpu.memory_space<smem>>
    %get3A_3 = arith.constant 5 : index
    %get3A_4 = memref.load %arg12[%get3A_3] : memref<8xf32, #tpu.memory_space<smem>>
    %get3A_5 = arith.constant 0 : index
    %get3A_6 = arith.constant 0 : index
    %get3A_7 = vector.load %arg1[%get3A_5, %get3A_6] : memref<2000x64xf32, #tpu.memory_space<vmem>>, vector<2000x64xf32>
    %get3A_8 = arith.constant 0 : index
    %get3A_9 = arith.constant 0 : index
    %get3A_10 = vector.load %arg2[%get3A_8, %get3A_9] : memref<2000x64xf32, #tpu.memory_space<vmem>>, vector<2000x64xf32>
    %get3A_11 = arith.constant 0 : index
    %get3A_12 = arith.constant 0 : index
    %get3A_13 = vector.load %arg3[%get3A_11, %get3A_12] : memref<2000x64xf32, #tpu.memory_space<vmem>>, vector<2000x64xf32>
    %add3A = arith.addf %get3A_10, %get3A_13 : vector<2000x64xf32>
    %get3A_14 = arith.constant 0 : index
    %get3A_15 = arith.constant 0 : index
    %get3A_16 = vector.load %arg4[%get3A_14, %get3A_15] : memref<2000x1xf32, #tpu.memory_space<vmem>>, vector<2000x1xf32>
    %get3A_17 = arith.constant 0 : index
    %get3A_18 = arith.constant 0 : index
    %get3A_19 = vector.load %arg5[%get3A_17, %get3A_18] : memref<2000x1xf32, #tpu.memory_space<vmem>>, vector<2000x1xf32>
    %add3A_20 = arith.addf %get3A_16, %get3A_19 : vector<2000x1xf32>
    %max3A = arith.constant 1.000000e+00 : f32
    %max3A_21 = vector.broadcast %max3A : f32 to vector<2000x1xf32>
    %max3A_22 = arith.maximumf %add3A_20, %max3A_21 : vector<2000x1xf32>
    %div3A = vector.broadcast %max3A_22 : vector<2000x1xf32> to vector<2000x64xf32>
    %div3A_23 = arith.divf %add3A, %div3A : vector<2000x64xf32>
    %get3A_24 = arith.constant 0 : index
    %get3A_25 = arith.constant 0 : index
    %get3A_26 = vector.load %arg6[%get3A_24, %get3A_25] : memref<2000x1xf32, #tpu.memory_space<vmem>>, vector<2000x1xf32>
    %sub3A = vector.broadcast %get3A_2 : f32 to vector<2000x1xf32>
    %sub3A_27 = arith.subf %get3A_26, %sub3A : vector<2000x1xf32>
    %div3A_28 = vector.broadcast %get3A_4 : f32 to vector<2000x1xf32>
    %div3A_29 = arith.divf %sub3A_27, %div3A_28 : vector<2000x1xf32>
    %neg3A = arith.constant 0.000000e+00 : f32
    %neg3A_30 = vector.broadcast %neg3A : f32 to vector<2000x1xf32>
    %neg3A_31 = arith.subf %neg3A_30, %div3A_29 : vector<2000x1xf32>
    %exp3A = math.exp %neg3A_31 : vector<2000x1xf32>
    %add3A_32 = arith.constant 1.000000e+00 : f32
    %add3A_33 = vector.broadcast %add3A_32 : f32 to vector<2000x1xf32>
    %add3A_34 = arith.addf %add3A_33, %exp3A : vector<2000x1xf32>
    %div3A_35 = arith.constant 1.000000e+00 : f32
    %div3A_36 = vector.broadcast %div3A_35 : f32 to vector<2000x1xf32>
    %div3A_37 = arith.divf %div3A_36, %add3A_34 : vector<2000x1xf32>
    %sub3A_38 = arith.constant 1.000000e+00 : f32
    %sub3A_39 = vector.broadcast %sub3A_38 : f32 to vector<2000x1xf32>
    %sub3A_40 = arith.subf %sub3A_39, %div3A_37 : vector<2000x1xf32>
    %mul3A = arith.mulf %get3A_7, %div3A_23 : vector<2000x64xf32>
    %reduce_sum3A = arith.constant dense<0.000000e+00> : vector<2000xf32>
    %reduce_sum3A_41 = vector.multi_reduction <add>, %mul3A, %reduce_sum3A [1] : vector<2000x64xf32> to vector<2000xf32>
    %broadcast_in_dim3A = vector.shape_cast %reduce_sum3A_41 : vector<2000xf32> to vector<2000x1xf32>
    %mul3A_42 = arith.constant 5.904900e-01 : f32
    %mul3A_43 = vector.broadcast %mul3A_42 : f32 to vector<2000x1xf32>
    %mul3A_44 = arith.mulf %mul3A_43, %sub3A_40 : vector<2000x1xf32>
    %mul3A_45 = arith.constant 4.095100e-01 : f32
    %mul3A_46 = vector.broadcast %mul3A_45 : f32 to vector<2000x1xf32>
    %mul3A_47 = arith.mulf %mul3A_46, %broadcast_in_dim3A : vector<2000x1xf32>
    %add3A_48 = arith.addf %mul3A_44, %mul3A_47 : vector<2000x1xf32>
    %mul3A_49 = arith.constant 2.000000e-01 : f32
    %mul3A_50 = vector.broadcast %mul3A_49 : f32 to vector<2000x1xf32>
    %mul3A_51 = arith.mulf %add3A_48, %mul3A_50 : vector<2000x1xf32>
    %mul3A_52 = vector.broadcast %mul3A_51 : vector<2000x1xf32> to vector<2000x64xf32>
    %mul3A_53 = arith.mulf %mul3A_52, %div3A_23 : vector<2000x64xf32>
    %sub3A_54 = arith.constant 1.000000e+00 : f32
    %sub3A_55 = vector.broadcast %sub3A_54 : f32 to vector<2000x1xf32>
    %sub3A_56 = arith.subf %sub3A_55, %mul3A_51 : vector<2000x1xf32>
    %mul3A_57 = vector.broadcast %sub3A_56 : vector<2000x1xf32> to vector<2000x64xf32>
    %mul3A_58 = arith.mulf %mul3A_57, %get3A_7 : vector<2000x64xf32>
    %add3A_59 = arith.addf %mul3A_53, %mul3A_58 : vector<2000x64xf32>
    %get3A_60 = arith.constant 0 : index
    %get3A_61 = arith.constant 0 : index
    %get3A_62 = vector.load %arg9[%get3A_60, %get3A_61] : memref<1x64xf32, #tpu.memory_space<vmem>>, vector<1x64xf32>
    %mul3A_63 = vector.broadcast %get3A_62 : vector<1x64xf32> to vector<2000x64xf32>
    %mul3A_64 = arith.mulf %add3A_59, %mul3A_63 : vector<2000x64xf32>
    %reduce_sum3A_65 = arith.constant dense<0.000000e+00> : vector<2000xf32>
    %reduce_sum3A_66 = vector.multi_reduction <add>, %mul3A_64, %reduce_sum3A_65 [1] : vector<2000x64xf32> to vector<2000xf32>
    %broadcast_in_dim3A_67 = vector.shape_cast %reduce_sum3A_66 : vector<2000xf32> to vector<2000x1xf32>
    %swap3A = arith.constant 0 : index
    %swap3A_68 = arith.constant 0 : index
    %swap3A_69 = vector.load %arg10[%swap3A, %swap3A_68] : memref<2000x1xf32, #tpu.memory_space<vmem>>, vector<2000x1xf32>
    tpu.vector_store %arg10[%swap3A, %swap3A_68], %broadcast_in_dim3A_67 {strides = array<i32>} : memref<2000x1xf32, #tpu.memory_space<vmem>>, vector<2000x1xf32>,
    %get3A_70 = arith.constant 0 : index
    %get3A_71 = arith.constant 0 : index
    %get3A_72 = vector.load %arg7[%get3A_70, %get3A_71] : memref<2000x1xf32, #tpu.memory_space<vmem>>, vector<2000x1xf32>
    %gt3A = arith.constant 5.000000e-01 : f32
    %gt3A_73 = vector.broadcast %gt3A : f32 to vector<2000x1xf32>
    %gt3A_74 = arith.cmpf ogt, %get3A_72, %gt3A_73 : vector<2000x1xf32>
    %jit3A = arith.constant 0.000000e+00 : f32
    %jit3A_75 = arith.constant 1.000000e+00 : f32
    %broadcast_in_dim3A_76 = vector.broadcast %jit3A : f32 to vector<2000x1xf32>
    %broadcast_in_dim3A_77 = vector.broadcast %jit3A_75 : f32 to vector<2000x1xf32>
    %select_n3A = arith.select %gt3A_74, %broadcast_in_dim3A_76, %broadcast_in_dim3A_77 : vector<2000x1xi1>, vector<2000x1xf32>
    %jit3A_78 = arith.constant 1.000000e+00 : f32
    %jit3A_79 = arith.constant 0.000000e+00 : f32
    %broadcast_in_dim3A_80 = vector.broadcast %jit3A_78 : f32 to vector<2000x1xf32>
    %broadcast_in_dim3A_81 = vector.broadcast %jit3A_79 : f32 to vector<2000x1xf32>
    %select_n3A_82 = arith.select %gt3A_74, %broadcast_in_dim3A_80, %broadcast_in_dim3A_81 : vector<2000x1xi1>, vector<2000x1xf32>
    %max3A_83 = arith.constant 0.000000e+00 : f32
    %max3A_84 = vector.broadcast %max3A_83 : f32 to vector<2000x1xf32>
    %max3A_85 = arith.maximumf %broadcast_in_dim3A_67, %max3A_84 : vector<2000x1xf32>
    %abs3A = math.absf %broadcast_in_dim3A_67 : vector<2000x1xf32>
    %neg3A_86 = arith.constant 0.000000e+00 : f32
    %neg3A_87 = vector.broadcast %neg3A_86 : f32 to vector<2000x1xf32>
    %neg3A_88 = arith.subf %neg3A_87, %abs3A : vector<2000x1xf32>
    %exp3A_89 = math.exp %neg3A_88 : vector<2000x1xf32>
    %log1p3A = math.log1p %exp3A_89 : vector<2000x1xf32>
    %add3A_90 = arith.addf %max3A_85, %log1p3A : vector<2000x1xf32>
    %get3A_91 = arith.constant 0 : index
    %get3A_92 = memref.load %arg12[%get3A_91] : memref<8xf32, #tpu.memory_space<smem>>
    %sub3A_93 = arith.subf %add3A_90, %broadcast_in_dim3A_67 : vector<2000x1xf32>
    %mul3A_94 = arith.mulf %sub3A_93, %select_n3A : vector<2000x1xf32>
    %reduce_sum3A_95 = vector.shape_cast %mul3A_94 : vector<2000x1xf32> to vector<1x2000x1xf32>
    %reduce_sum3A_96 = arith.constant dense<0.000000e+00> : vector<1xf32>
    %reduce_sum3A_97 = vector.multi_reduction <add>, %reduce_sum3A_95, %reduce_sum3A_96 [1, 2] : vector<1x2000x1xf32> to vector<1xf32>
    %reduce_sum3A_98 = vector.shape_cast %reduce_sum3A_97 : vector<1xf32> to vector<1x1x1xf32>
    %reduce_sum3A_99 = vector.extract %reduce_sum3A_98[0, 0, 0] : f32 from vector<1x1x1xf32>
    %add3A_100 = arith.addf %get3A_92, %reduce_sum3A_99 : f32
    %swap3A_101 = arith.constant 0 : index
    %swap3A_102 = memref.load %arg12[%swap3A_101] : memref<8xf32, #tpu.memory_space<smem>>
    memref.store %add3A_100, %arg12[%swap3A_101] : memref<8xf32, #tpu.memory_space<smem>>
    %get3A_103 = arith.constant 1 : index
    %get3A_104 = memref.load %arg12[%get3A_103] : memref<8xf32, #tpu.memory_space<smem>>
    %reduce_sum3A_105 = vector.shape_cast %select_n3A : vector<2000x1xf32> to vector<1x2000x1xf32>
    %reduce_sum3A_106 = arith.constant dense<0.000000e+00> : vector<1xf32>
    %reduce_sum3A_107 = vector.multi_reduction <add>, %reduce_sum3A_105, %reduce_sum3A_106 [1, 2] : vector<1x2000x1xf32> to vector<1xf32>
    %reduce_sum3A_108 = vector.shape_cast %reduce_sum3A_107 : vector<1xf32> to vector<1x1x1xf32>
    %reduce_sum3A_109 = vector.extract %reduce_sum3A_108[0, 0, 0] : f32 from vector<1x1x1xf32>
    %add3A_110 = arith.addf %get3A_104, %reduce_sum3A_109 : f32
    %swap3A_111 = arith.constant 1 : index
    %swap3A_112 = memref.load %arg12[%swap3A_111] : memref<8xf32, #tpu.memory_space<smem>>
    memref.store %add3A_110, %arg12[%swap3A_111] : memref<8xf32, #tpu.memory_space<smem>>
    %get3A_113 = arith.constant 2 : index
    %get3A_114 = memref.load %arg12[%get3A_113] : memref<8xf32, #tpu.memory_space<smem>>
    %mul3A_115 = arith.mulf %add3A_90, %select_n3A_82 : vector<2000x1xf32>
    %reduce_sum3A_116 = vector.shape_cast %mul3A_115 : vector<2000x1xf32> to vector<1x2000x1xf32>
    %reduce_sum3A_117 = arith.constant dense<0.000000e+00> : vector<1xf32>
    %reduce_sum3A_118 = vector.multi_reduction <add>, %reduce_sum3A_116, %reduce_sum3A_117 [1, 2] : vector<1x2000x1xf32> to vector<1xf32>
    %reduce_sum3A_119 = vector.shape_cast %reduce_sum3A_118 : vector<1xf32> to vector<1x1x1xf32>
    %reduce_sum3A_120 = vector.extract %reduce_sum3A_119[0, 0, 0] : f32 from vector<1x1x1xf32>
    %add3A_121 = arith.addf %get3A_114, %reduce_sum3A_120 : f32
    %swap3A_122 = arith.constant 2 : index
    %swap3A_123 = memref.load %arg12[%swap3A_122] : memref<8xf32, #tpu.memory_space<smem>>
    memref.store %add3A_121, %arg12[%swap3A_122] : memref<8xf32, #tpu.memory_space<smem>>
    %get3A_124 = arith.constant 3 : index
    %get3A_125 = memref.load %arg12[%get3A_124] : memref<8xf32, #tpu.memory_space<smem>>
    %reduce_sum3A_126 = vector.shape_cast %select_n3A_82 : vector<2000x1xf32> to vector<1x2000x1xf32>
    %reduce_sum3A_127 = arith.constant dense<0.000000e+00> : vector<1xf32>
    %reduce_sum3A_128 = vector.multi_reduction <add>, %reduce_sum3A_126, %reduce_sum3A_127 [1, 2] : vector<1x2000x1xf32> to vector<1xf32>
    %reduce_sum3A_129 = vector.shape_cast %reduce_sum3A_128 : vector<1xf32> to vector<1x1x1xf32>
    %reduce_sum3A_130 = vector.extract %reduce_sum3A_129[0, 0, 0] : f32 from vector<1x1x1xf32>
    %add3A_131 = arith.addf %get3A_125, %reduce_sum3A_130 : f32
    %swap3A_132 = arith.constant 3 : index
    %swap3A_133 = memref.load %arg12[%swap3A_132] : memref<8xf32, #tpu.memory_space<smem>>
    memref.store %add3A_131, %arg12[%swap3A_132] : memref<8xf32, #tpu.memory_space<smem>>
    %eq3A_134 = arith.constant 4 : i32
    %eq3A_135 = arith.cmpi eq, %arg0, %eq3A_134 : i32
    %convert_element_type3A_136 = arith.extui %eq3A_135 : i1 to i32
    %cond3A_137 = arith.constant 0 : i32
    %cond3A_138 = arith.cmpi ne, %convert_element_type3A_136, %cond3A_137 : i32
    scf.if %cond3A_138 {
      %get3A_139 = arith.constant 0 : index
      %get3A_140 = memref.load %arg12[%get3A_139] : memref<8xf32, #tpu.memory_space<smem>>
      %get3A_141 = arith.constant 1 : index
      %get3A_142 = memref.load %arg12[%get3A_141] : memref<8xf32, #tpu.memory_space<smem>>
      %div3A_143 = arith.divf %get3A_140, %get3A_142 : f32
      %get3A_144 = arith.constant 2 : index
      %get3A_145 = memref.load %arg12[%get3A_144] : memref<8xf32, #tpu.memory_space<smem>>
      %get3A_146 = arith.constant 3 : index
      %get3A_147 = memref.load %arg12[%get3A_146] : memref<8xf32, #tpu.memory_space<smem>>
      %div3A_148 = arith.divf %get3A_145, %get3A_147 : f32
      %add3A_149 = arith.addf %div3A_143, %div3A_148 : f32
      %reshape3A = vector.broadcast %add3A_149 : f32 to vector<1x1xf32>
      %swap3A_150 = arith.constant 0 : index
      %swap3A_151 = arith.constant 0 : index
      %swap3A_152 = vector.load %arg11[%swap3A_150, %swap3A_151] : memref<1x1xf32, #tpu.memory_space<vmem>>, vector<1x1xf32>
      tpu.vector_store %arg11[%swap3A_150, %swap3A_151], %reshape3A {strides = array<i32>} : memref<1x1xf32, #tpu.memory_space<vmem>>, vector<1x1xf32>,
    } else {
    }
    return
  }
  func.func @transform_0(%arg0: i32) -> (i32, i32) {
    %c0_i32 = arith.constant 0 : i32
    %c0_i32_0 = arith.constant 0 : i32
    return %arg0, %c0_i32 : i32, i32
  }
  func.func @transform_1(%arg0: i32) -> (i32, i32) {
    %c0_i32 = arith.constant 0 : i32
    %c0_i32_0 = arith.constant 0 : i32
    return %arg0, %c0_i32 : i32, i32
  }
  func.func @transform_2(%arg0: i32) -> (i32, i32) {
    %add3A = arith.constant 8 : i32
    %add3A_0 = arith.addi %add3A, %arg0 : i32
    %c0_i32 = arith.constant 0 : i32
    %c0_i32_1 = arith.constant 0 : i32
    return %add3A_0, %c0_i32 : i32, i32
  }
  func.func @transform_3(%arg0: i32) -> (i32, i32) {
    %c0_i32 = arith.constant 0 : i32
    %c0_i32_0 = arith.constant 0 : i32
    return %arg0, %c0_i32 : i32, i32
  }
  func.func @transform_4(%arg0: i32) -> (i32, i32) {
    %add3A = arith.constant 8 : i32
    %add3A_0 = arith.addi %add3A, %arg0 : i32
    %c0_i32 = arith.constant 0 : i32
    %c0_i32_1 = arith.constant 0 : i32
    return %add3A_0, %c0_i32 : i32, i32
  }
  func.func @transform_5(%arg0: i32) -> (i32, i32) {
    %c0_i32 = arith.constant 0 : i32
    %c0_i32_0 = arith.constant 0 : i32
    return %arg0, %c0_i32 : i32, i32
  }
  func.func @transform_6(%arg0: i32) -> (i32, i32) {
    %c0_i32 = arith.constant 0 : i32
    %c0_i32_0 = arith.constant 0 : i32
    return %arg0, %c0_i32 : i32, i32
  }
  func.func @transform_7(%arg0: i32) -> (i32, i32) {
    %c0_i32 = arith.constant 0 : i32
    %c0_i32_0 = arith.constant 0 : i32
    %c0_i32_1 = arith.constant 0 : i32
    return %c0_i32, %c0_i32_0 : i32, i32
  }
  func.func @transform_8(%arg0: i32) -> (i32, i32) {
    %c0_i32 = arith.constant 0 : i32
    %c0_i32_0 = arith.constant 0 : i32
    %c0_i32_1 = arith.constant 0 : i32
    return %c0_i32, %c0_i32_0 : i32, i32
  }
  func.func @transform_9(%arg0: i32) -> (i32, i32) {
    %c0_i32 = arith.constant 0 : i32
    %c0_i32_0 = arith.constant 0 : i32
    return %arg0, %c0_i32 : i32, i32
  }
  func.func @transform_10(%arg0: i32) -> (i32, i32) {
    %c0_i32 = arith.constant 0 : i32
    %c0_i32_0 = arith.constant 0 : i32
    %c0_i32_1 = arith.constant 0 : i32
    return %c0_i32, %c0_i32_0 : i32, i32
  }
}

</mosaic_0001>

<sc_bundles>
// kernel: kernel.5.cloned.1.call-start
scs
__scs_entry_jumppad:
0x0: {  	(pc) =	sbr.rel $0x88, $3  }
0x1: {  	(tag) =	ssettag $0x0;
	lr =	simm.s32 $0x1  }
0x2: {  	[smem:$0x3F98] =	sst lr;
	_ =	strace $0xD0000000  }
0x3: {  	_ = 	snop  }
0x4: {  	_ = 	snop  }
0x5: {  	_ = 	snop  }
0x6: {  	_ = 	snop  }
0x7: {  	_ = 	snop  }
__scs_overlays_trampoline_lowered:
0x8: {  	[smem:$0x3FA7] =	sst s0  }
0x9: {  	[smem:$0x3FA8] =	sst s1  }
0xa: {  	[smem:$0x3FA9] =	sst s2  }
0xb: {  	[smem:$0x3FAA] =	sst s3  }
0xc: {  	[smem:$0x3FAB] =	sst s4  }
0xd: {  	[smem:$0x3FAC] =	sst s5  }
0xe: {  	[smem:$0x3FAD] =	sst s6  }
0xf: {  	[smem:$0x3FAE] =	sst s7  }
0x10: {  	[smem:$0x3FAF] =	sst s8  }
0x11: {  	[smem:$0x3FB0] =	sst s9;
	s0 =	simm.s32 @!p0 $0x0  }
0x12: {  	s1 =	sld [smem:$0x3F96];
	s0 =	simm.s32 @p0 $0x1  }
0x13: {  	[smem:$0x3FB1] =	sst s0;
	s0 =	simm.s32 @!p1 $0x0  }
0x14: {  	s2 =	sld [smem:$0x3F95];
	s0 =	simm.s32 @p1 $0x1  }
0x15: {  	[smem:$0x3FB2] =	sst s0;
	s0 =	simm.s32 @!p2 $0x0  }
0x16: {  	s3 =	sld [smem:$0x3FDB];
	s0 =	simm.s32 @p2 $0x1  }
0x17: {  	s4 =	simm.s32 $0x1BF5;
	[smem:$0x3FB4] =	sst s0  }
0x18: {  	s0 =	sld [smem:$0x3F97];
	_ =	swait.ge [sflag:s4], $0x0  }
0x19: {  	s7 =	sld [smem:$0x3F98]  }
0x1a: {  	s8 =	sadd.s32 $0xFFFFE003, lr  }
0x1b: {  	s9 =	sadd.s32 $0xFFFFFEF7, lr;
	s5 =	simm.s32 $0xFFFFFFFF;
	p2 =	slt.u32 s8, $0xFFFFF086  }
0x1c: {  	p1 =	slt.u32 s9, $0xF7A;
	s5 =	simm.s32 @!p2 $0x0  }
0x1d: {  	s5 =	simm.s32 @p1 $0x1;
	p0 =	seq.s32 s7, s2  }
0x1e: {  	s7 =	smul.u32 @!p0 $0xF7A, s2;
	p2 =	seq.s32 @!p0 s5, $0x0  }
0x1f: {  	s9 =	smul.u32 $0xF7A, s1;
	s8 =	simm.s32 @!p0 $0x1BF5;
	p2 =	por !p2, p0  }
0x20: {  	[sflag:s8] =	ssyncset.s32 @!p0 $0xFFFFF086;
	s6 =	sadd.s32 @!p0 s3, s7;
	s7 =	simm.s32 @!p0 $0x108  }
0x21: {  	s3 =	sadd.s32 s3, s9;
	s6 =	sadd.s32 @!p0 $0x88, s6;
	s7 =	simm.s32 @p2 $0x1082  }
0x22: {  	[simem:s7], [sflag:s8] =	dma.local @!p0 [hbm:s6], $0xF7A  }
0x23: {  	s9 =	sor.u32 $0xD0000000, s2;
	s6 =	simm.s32 $0x108;
	_ =	swait.ge @!p0 [sflag:s8], $0x0  }
0x24: {  	s3 =	sadd.s32 $0x88, s3;
	s6 =	simm.s32 @!p1 $0x1082;
	[sflag:s4] =	ssyncset.s32 $0xFFFFF086  }
0x25: {  	[simem:s6], [sflag:s4] =	dma.local [hbm:s3], $0xF7A  }
0x26: {  	[smem:$0x3F98] =	sst s1;
	(tag) =	ssettag s2;
	_ =	strace s9  }
0x27: {  	s1 =	sld [smem:$0x3FA8]  }
0x28: {  	s2 =	sld [smem:$0x3FA9]  }
0x29: {  	s4 =	sld [smem:$0x3FAB]  }
0x2a: {  	p0 =	seq.s32 s5, $0x0;
	s5 =	sld [smem:$0x3FAC]  }
0x2b: {  	s6 =	sld [smem:$0x3FAD]  }
0x2c: {  	s7 =	sld [smem:$0x3FAE]  }
0x2d: {  	s3 =	simm.s32 $0x108;
	s8 =	sld [smem:$0x3FAF]  }
0x2e: {  	s3 =	simm.s32 @!p0 $0x1082;
	s9 =	sld [smem:$0x3FB0]  }
0x2f: {  	lr =	sadd.s32 s0, s3;
	s0 =	sld [smem:$0x3FA7]  }
0x30: {  	s3 =	sld [smem:$0x3FAA]  }
0x31: {  	[smem:$0x3FB3] =	sst s10  }
0x32: {  	s10 =	sld [smem:$0x3FB1];
	_ =	sdelay $0x3  }
0x33: {  	p0 =	seq.s32 s10, $0x1;
	s10 =	sld [smem:$0x3FB3];
	_ =	sdelay $0x3  }
0x34: {  	[smem:$0x3FB3] =	sst s10  }
0x35: {  	s10 =	sld [smem:$0x3FB2];
	_ =	sdelay $0x3  }
0x36: {  	p1 =	seq.s32 s10, $0x1;
	s10 =	sld [smem:$0x3FB3];
	_ =	sdelay $0x3  }
0x37: {  	[smem:$0x3FB3] =	sst s10  }
0x38: {  	s10 =	sld [smem:$0x3FB4]  }
0x39: {  	_ = 	snop;
	(pc) =	sbr.ind lr, $3  }
0x3a: {  	_ = 	snop  }
0x3b: {  	_ = 	snop  }
0x3c: {  	p2 =	seq.s32 s10, $0x1;
	s10 =	sld [smem:$0x3FB3]  }
0x3d: {  	_ =	shalt  }
0x3e: {  	_ =	shalt  }
0x3f: {  	_ =	shalt  }
0x40: {  	_ =	shalt  }
0x41: {  	_ =	shalt  }
0x42: {  	_ =	shalt  }
0x43: {  	_ =	shalt  }
0x44: {  	_ =	shalt  }
0x45: {  	_ =	shalt  }
0x46: {  	_ =	shalt  }
0x47: {  	_ =	shalt  }
0x48: {  	_ =	shalt  }
0x49: {  	_ =	shalt  }
0x4a: {  	_ =	shalt  }
0x4b: {  	_ =	shalt  }
0x4c: {  	_ =	shalt  }
0x4d: {  	_ =	shalt  }
0x4e: {  	_ =	shalt  }
0x4f: {  	_ =	shalt  }
0x50: {  	_ =	shalt  }
0x51: {  	_ =	shalt  }
0x52: {  	_ =	shalt  }
0x53: {  	_ =	shalt  }
0x54: {  	_ =	shalt  }
0x55: {  	_ =	shalt  }
0x56: {  	_ =	shalt  }
0x57: {  	_ =	shalt  }
0x58: {  	_ =	shalt  }
0x59: {  	_ =	shalt  }
0x5a: {  	_ =	shalt  }
0x5b: {  	_ =	shalt  }
0x5c: {  	_ =	shalt  }
0x5d: {  	_ =	shalt  }
0x5e: {  	_ =	shalt  }
0x5f: {  	_ =	shalt  }
0x60: {  	_ =	shalt  }
0x61: {  	_ =	shalt  }
0x62: {  	_ =	shalt  }
0x63: {  	_ =	shalt  }
0x64: {  	_ =	shalt  }
0x65: {  	_ =	shalt  }
0x66: {  	_ =	shalt  }
0x67: {  	_ =	shalt  }
0x68: {  	_ =	shalt  }
0x69: {  	_ =	shalt  }
0x6a: {  	_ =	shalt  }
0x6b: {  	_ =	shalt  }
0x6c: {  	_ =	shalt  }
0x6d: {  	_ =	shalt  }
0x6e: {  	_ =	shalt  }
0x6f: {  	_ =	shalt  }
0x70: {  	_ =	shalt  }
0x71: {  	_ =	shalt  }
0x72: {  	_ =	shalt  }
0x73: {  	_ =	shalt  }
0x74: {  	_ =	shalt  }
0x75: {  	_ =	shalt  }
0x76: {  	_ =	shalt  }
0x77: {  	_ =	shalt  }
0x78: {  	_ =	shalt  }
0x79: {  	_ =	shalt  }
0x7a: {  	_ =	shalt  }
0x7b: {  	_ =	shalt  }
0x7c: {  	_ =	shalt  }
0x7d: {  	_ =	shalt  }
0x7e: {  	_ =	shalt  }
0x7f: {  	_ =	shalt  }
0x80: {  	_ =	shalt  }
0x81: {  	_ =	shalt  }
0x82: {  	_ =	shalt  }
0x83: {  	_ =	shalt  }
0x84: {  	_ =	shalt  }
0x85: {  	_ =	shalt  }
0x86: {  	_ =	shalt  }
0x87: {  	_ =	shalt  }
.Lfunc_end0:
.L_simem_size_0:
called_computation_lowered:
.L_overlay_start_0:
0x88: {  	s2 =	sld [smem:$0x3FD9]  }
0x89: {  	s3 =	sld [smem:$0x3FFE];
	_ =	sdelay $0x1  }
0x8a: {  	s1 =	srdreg.scid  }
0x8b: {  	s0 =	sand.u32 $0x1, s1  }
0x8c: {  	s14 =	sshll.u32 s0, $0xA;
	s2 =	sadd.s32 s3, s2  }
0x8d: {  	s2 =	sadd.s32 s2, s14  }
0x8e: {  	[smem:$0x3FBF] =	sst s2  }
0x8f: {  	_ = 	snop  }
0x90: {  	s2 =	sld [smem:$0x3FD0];
	_ =	sdelay $0x2  }
0x91: {  	s4 =	simm.s32 $0xA;
	s5 =	simm.s32 $0x10;
	s15 =	sld [smem:$0x3FC2]  }
0x92: {  	[smem:s5], [sflag:s4] =	dma.local [hbm:s2], $0x1  }
0x93: {  	_ =	swait.eq [sflag:s4], $0x1  }
0x94: {  	[sflag:s4] =	ssyncset.done $0x0  }
0x95: {  	[sflag:s4] =	ssyncadd.s32 $0xFFFFFFFF  }
0x96: {  	s16 =	sld [smem:$0x11];
	(tm) =	ssettm $0x1  }
0x97: {  	s17 =	sld [smem:$0x3FFB];
	_ =	sdelay $0x3  }
0x98: {  	_ =	strace s17  }
0x99: {  	s4 =	sld [smem:$0x3FFC];
	_ =	sdelay $0x3  }
0x9a: {  	_ =	strace s4  }
0x9b: {  	s4 =	sld [smem:$0x3FFD];
	_ =	sdelay $0x3  }
0x9c: {  	_ =	strace s4  }
0x9d: {  	_ =	strace $0x8FFFFFFF  }
0x9e: {  	s18 =	sld [smem:$0x3FDB];
	_ =	sdelay $0x1  }
0x9f: {  	s19 =	simm.s32 $_scs_section_size  }
0xa0: {  	s6 =	simm.s32 $_size__tile_overlayer_lowered;
	s7 =	simm.s32 $_tile_overlayer_lowered  }
0xa1: {  	s22 =	simm.s32 $0x1BFF;
	s21 =	sshll.u32 s7, $0x1;
	s4 =	sadd.s32 s19, s18  }
0xa2: {  	s8 =	simm.s32 $0x0;
	s20 =	sshll.u32 s6, $0x1;
	s6 =	sadd.s32 s21, s4  }
0xa3: {  	[timem:s8], [sflag:s22] =	dma.local [hbm:s6], s20  }
0xa4: {  	_ =	swait.ge [sflag:s22], s20  }
0xa5: {  	s5 =	ssub.s32 $0x0, s20;
	[sflag:s22] =	ssyncset.done $0x0  }
0xa6: {  	[sflag:s22] =	ssyncadd.s32 s5;
	_ =	sdelay $0x1  }
0xa7: {  	s23 =	simm.s32 $0x1B8B  }
0xa8: {  	_ =	swait.ge [sflag:s23], $0x1  }
0xa9: {  	[sflag:s23] =	ssyncset.done $0x0  }
0xaa: {  	s25 =	simm.s32 $0x1B8E;
	s24 =	sld [smem:$0x3FFE];
	[sflag:s23] =	ssyncadd.s32 $0xFFFFFFFF  }
0xab: {  	s26 =	simm.s32 $execute0_lowered;
	[smem:$0x3FD2] =	sst s25  }
0xac: {  	s6 =	sshll.u32 s26, $0x1;
	_ =	strace $0x80000046;
	[dreg:$0x1] =	wrdreg $0xFFFFFFFF  }
0xad: {  	s28 =	simm.s32 $_size_execute0_lowered;
	s4 =	sadd.s32 s4, s6;
	[dreg:$0x0] =	wrdreg $0x0  }
0xae: {  	s6 =	sshll.u32 s28, $0x1;
	[dreg:$0x2] =	wrdreg s4  }
0xaf: {  	[dreg:$0x3] =	wrdreg s6  }
0xb0: {  	[dreg:$0x4] =	wrdreg $0xC0  }
0xb1: {  	_ =	task [dreg:s8], $0x5FFFF  }
0xb2: {  	[dreg:$0x1] =	wrdreg $0xFFFFFFFF  }
0xb3: {  	[dreg:$0x0] =	wrdreg $0x60  }
0xb4: {  	[dreg:$0x2] =	wrdreg s24  }
0xb5: {  	[dreg:$0x3] =	wrdreg s15  }
0xb6: {  	[dreg:$0x4] =	wrdreg s16  }
0xb7: {  	[dreg:$0x5] =	wrdreg $0xE0800  }
0xb8: {  	[dreg:$0x6] =	wrdreg $0x17E800  }
0xb9: {  	[dreg:$0x7] =	wrdreg $0x9  }
0xba: {  	_ =	task.clear_ibuf [dreg:s8], $0x8FFFF;
	_ =	strace $0x90000046  }
0xbb: {  	s29 =	simm.s32 $0x9;
	_ =	strace $0x80000048  }
0xbc: {  	_ =	swait.ge [sflag:s29], $0x1  }
0xbd: {  	[sflag:s29] =	ssyncadd.s32 $0xFFFFFFFF  }
0xbe: {  	_ =	strace $0x90000048  }
0xbf: {  	_ =	sfence  }
0xc0: {  	s30 =	sld [smem:$0x0];
	_ =	sdelay $0x2  }
0xc1: {  	s31 =	sshll.u32 s1, $0xD;
	s1 =	sshrl.u32 s1, $0x2  }
0xc2: {  	s3 =	sand.u32 $0x4000, s31;
	s1 =	sadd.s32 s1, s30  }
0xc3: {  	s0 =	sor.u32 s3, s0;
	s1 =	sshll.u32 s1, $0x11  }
0xc4: {  	s0 =	sor.u32 s1, s0  }
0xc5: {  	s0 =	sadd.s32 $0x8F2B, s0  }
0xc6: {  	[sflag:s0] =	ssyncadd.remote.s32 $0x1  }
0xc7: {  	_ =	sfence.sel $0xFFFF  }
0xc8: {  	[dreg:$0x0] =	wrdreg $0xFFFFFFFF;
	(pc) =	sbr.abs _section_cstart, $3  }
0xc9: {  	[dreg:$0x1] =	wrdreg $0xFFFFFFFF  }
0xca: {  	_ =	task.clear_ibuf [dreg:s8], $0x2FFFF;
	_ =	strace $0x9FFFFFFF  }
0xcb: {  	(tm) =	ssettm $0x7FFFFFFF  }
tec
execute0_lowered:
.L_overlay_start_1:
0x0: {  	(tag) =	ssettag $0x1  }
0x1: {  	s0 =	rddreg [dreg:$0x0]  }
0x2: {  	s1 =	rddreg [dreg:$0x1]  }
0x3: {  	s2 =	srdreg.scid;
	s8 =	rddreg [dreg:$0x2]  }
0x4: {  	s16 =	stileid.u32;
	s4 =	rddreg [dreg:$0x4];
	s17 =	simm.s32 $0x0  }
0x5: {  	s29 =	simm.s32 $0xB000;
	s30 =	simm.s32 $0x1;
	s31 =	simm.s32 $0xD000  }
0x6: {  	s28 =	simm.s32 $0x3;
	s2 =	sand.u32 $0x1, s2;
	s10 =	smul.u32 $0x278, s16  }
0x7: {  	s3 =	sshll.u32 s16, $0x1;
	[smem:$0x7FF] =	sst s17;
	s12 =	smul.u32 $0x9E00, s16  }
0x8: {  	s6 =	sadd.s32 $0x2600, s0;
	s19 =	sshll.u32 s16, $0x6;
	p0 =	sgt.u32 s16, $0xB  }
0x9: {  	s9 =	sor.u32 s2, s3;
	s3 =	rddreg [dreg:$0x3];
	s11 =	smul.u32 $0x3E80, s2  }
0xa: {  	_ =	strace $0x80000047;
	s2 =	ssub.s32 $0x2, s2;
	s7 =	smul.u32 $0x500, s9  }
0xb: {  	s14 =	sshrl.u32 s12, $0x3;
	s9 =	sshll.u32 s9, $0x8;
	s18 =	sshrl.u32 s2, $0x1  }
0xc: {  	s12 =	sadd.s32 s12, s3;
	s20 =	sshrl.u32 s10, $0x3;
	s11 =	sadd.s32 s10, s11  }
0xd: {  	s14 =	sadd.s32 s14, s0;
	s2 =	ssub.s32 s2, s18;
	s10 =	sadd.s32 s10, s4  }
0xe: {  	s8 =	sadd.s32 s8, s20;
	s12 =	sshrl.u32 s12, $0x3;
	s20 =	simm.s32 $0xA  }
0xf: {  	s18 =	simm.s32 $0x0;
	s13 =	sadd.s32 s7, s0;
	s15 =	sshll.u32 s11, $0x3  }
0x10: {  	s7 =	sadd.s32 $0xC00, s0;
	s11 =	sshrl.u32 s11, $0x3;
	[dreg:$0x7] =	wrdreg s10  }
0x11: {  	s14 =	sadd.s32 $0x2C000, s14;
	[dreg:$0x8] =	wrdreg s8;
	s26 =	smax.u32 s2, $0x1  }
0x12: {  	s2 =	simm.s32 $0x2;
	s10 =	simm.s32 $0x6;
	s15 =	sadd.s32 s15, s0  }
0x13: {  	s11 =	sadd.s32 s11, s0;
	s0 =	sadd.s32 s9, s0;
	[dreg:$0x6] =	wrdreg s14  }
0x14: {  	s9 =	sor.u32 $0x1C0A, s19;
	s21 =	sadd.s32 $0x18000, s13;
	[dreg:$0xf] =	wrdreg s26  }
0x15: {  	s22 =	sadd.s32 $0x22000, s13;
	s26 =	simm.s32 $0x9000;
	[dreg:$0x9] =	wrdreg s21  }
0x16: {  	s13 =	simm.s32 $0x7;
	[dreg:$0xa] =	wrdreg s22;
	s23 =	sadd.s32 $0x16000, s0  }
.Ltmp0:
0x17: {  	s0 =	sadd.s32 $0x3FC00, s0;
	[dreg:$0xb] =	wrdreg s23;
	(pc) =	sbr.rel .LBB2_1-.Ltmp0, $4  }
0x18: {  	s14 =	simm.s32 $0x9;
	s24 =	sadd.s32 $0x41C00, s15;
	[dreg:$0xc] =	wrdreg s0  }
0x19: {  	s25 =	sadd.s32 $0x80400, s11;
	s22 =	simm.s32 $0x80;
	[dreg:$0xd] =	wrdreg s24  }
0x1a: {  	s11 =	simm.s32 $0x4;
	s15 =	simm.s32 $0x8;
	[dreg:$0xe] =	wrdreg s25  }
0x1b: {  	v0 =	vimm.f32 $1.000000000e+00;
	s23 =	simm.s32 $0x5000;
	s24 =	simm.s32 $0x7000;
	s25 =	simm.s32 $0x5  }
.LBB2_6:
0x1c: {  	[tilespmem:s16], [sflag:$0xA] =	stream.indirect.gather [hbm4b:s1+s22], $0x1, s12, s22, $0xb8;
	[tilespmem:$0x180F8] =	vst v63  }
0x1d: {  	_ =	swait.ge [sflag:s20], $0x80  }
0x1e: {  	[sflag:s20] =	ssyncset.done $0x0  }
0x1f: {  	s8 =	simm.s32 $0xD100;
	s21 =	simm.s32 $0xD900;
	[sflag:s20] =	ssyncadd.s32 $0xFFFFFF80  }
0x20: {  	[tilespmem:s21], [sflag:$0xA] =	stream.indirect.gather [hbm4b:s1+s22], $0x1, s8, s22, $0xb8;
	[tilespmem:$0x180F8] =	vst v63  }
0x21: {  	_ =	swait.ge [sflag:s20], $0x80  }
0x22: {  	[sflag:s20] =	ssyncset.done $0x0  }
0x23: {  	s19 =	simm.s32 $0xD180;
	s21 =	simm.s32 $0xD980;
	[sflag:s20] =	ssyncadd.s32 $0xFFFFFF80  }
0x24: {  	[tilespmem:s21], [sflag:$0xA] =	stream.indirect.gather [hbm4b:s1+s22], $0x1, s19, s22, $0xb8;
	[tilespmem:$0x180F8] =	vst v63  }
0x25: {  	_ =	swait.ge [sflag:s20], $0x80  }
0x26: {  	[sflag:s20] =	ssyncset.done $0x0  }
0x27: {  	s19 =	simm.s32 $0xD200;
	s21 =	simm.s32 $0xDA00;
	[sflag:s20] =	ssyncadd.s32 $0xFFFFFF80  }
0x28: {  	[tilespmem:s21], [sflag:$0xA] =	stream.indirect.gather [hbm4b:s1+s22], $0x1, s19, s22, $0xb8;
	[tilespmem:$0x180F8] =	vst v63  }
0x29: {  	_ =	swait.ge [sflag:s20], $0x80  }
0x2a: {  	[sflag:s20] =	ssyncset.done $0x0  }
0x2b: {  	s19 =	simm.s32 $0xD280;
	s21 =	simm.s32 $0xDA80;
	[sflag:s20] =	ssyncadd.s32 $0xFFFFFF80  }
0x2c: {  	[tilespmem:s21], [sflag:$0xA] =	stream.indirect.gather [hbm4b:s1+s22], $0x1, s19, s22, $0xb8;
	[tilespmem:$0x180F8] =	vst v63  }
0x2d: {  	_ =	swait.ge [sflag:s20], $0x80  }
0x2e: {  	[sflag:s20] =	ssyncset.done $0x0  }
0x2f: {  	s19 =	simm.s32 $0xD300;
	s21 =	simm.s32 $0xDB00;
	[sflag:s20] =	ssyncadd.s32 $0xFFFFFF80  }
0x30: {  	[tilespmem:s21], [sflag:$0xA] =	stream.indirect.gather [hbm4b:s1+s22], $0x1, s19, s22, $0xb8;
	[tilespmem:$0x180F8] =	vst v63  }
0x31: {  	_ =	swait.ge [sflag:s20], $0x80  }
0x32: {  	[sflag:s20] =	ssyncset.done $0x0  }
0x33: {  	s19 =	simm.s32 $0xD380;
	s21 =	simm.s32 $0xDB80;
	[sflag:s20] =	ssyncadd.s32 $0xFFFFFF80  }
0x34: {  	[tilespmem:s21], [sflag:$0xA] =	stream.indirect.gather [hbm4b:s1+s22], $0x1, s19, s22, $0xb8;
	[tilespmem:$0x180F8] =	vst v63  }
0x35: {  	_ =	swait.ge [sflag:s20], $0x80  }
0x36: {  	[sflag:s20] =	ssyncset.done $0x0  }
0x37: {  	s19 =	simm.s32 $0xD400;
	s21 =	simm.s32 $0xDC00;
	[sflag:s20] =	ssyncadd.s32 $0xFFFFFF80  }
0x38: {  	[tilespmem:s21], [sflag:$0xA] =	stream.indirect.gather [hbm4b:s1+s22], $0x1, s19, s22, $0xb8;
	[tilespmem:$0x180F8] =	vst v63  }
0x39: {  	_ =	swait.ge [sflag:s20], $0x80  }
0x3a: {  	[sflag:s20] =	ssyncset.done $0x0  }
0x3b: {  	s19 =	simm.s32 $0xD480;
	s21 =	simm.s32 $0xDC80;
	[sflag:s20] =	ssyncadd.s32 $0xFFFFFF80  }
0x3c: {  	[tilespmem:s21], [sflag:$0xA] =	stream.indirect.gather [hbm4b:s1+s22], $0x1, s19, s22, $0xb8;
	[tilespmem:$0x180F8] =	vst v63  }
0x3d: {  	_ =	swait.ge [sflag:s20], $0x80  }
0x3e: {  	[sflag:s20] =	ssyncset.done $0x0  }
0x3f: {  	s19 =	simm.s32 $0xD500;
	s21 =	simm.s32 $0xDD00;
	[sflag:s20] =	ssyncadd.s32 $0xFFFFFF80  }
0x40: {  	[tilespmem:s21], [sflag:$0xA] =	stream.indirect.gather [hbm4b:s1+s22], $0x1, s19, s22, $0xb8;
	[tilespmem:$0x180F8] =	vst v63  }
0x41: {  	_ =	swait.ge [sflag:s20], $0x80  }
0x42: {  	[sflag:s20] =	ssyncset.done $0x0  }
0x43: {  	s19 =	simm.s32 $0xD580;
	s21 =	simm.s32 $0xDD80;
	[sflag:s20] =	ssyncadd.s32 $0xFFFFFF80  }
0x44: {  	[tilespmem:s21], [sflag:$0xA] =	stream.indirect.gather [hbm4b:s1+s22], $0x1, s19, s22, $0xb8;
	[tilespmem:$0x180F8] =	vst v63  }
0x45: {  	_ =	swait.ge [sflag:s20], $0x80  }
0x46: {  	[sflag:s20] =	ssyncset.done $0x0  }
0x47: {  	s19 =	simm.s32 $0xD600;
	s21 =	simm.s32 $0xDE00;
	[sflag:s20] =	ssyncadd.s32 $0xFFFFFF80  }
0x48: {  	[tilespmem:s21], [sflag:$0xA] =	stream.indirect.gather [hbm4b:s1+s22], $0x1, s19, s22, $0xb8;
	[tilespmem:$0x180F8] =	vst v63  }
0x49: {  	_ =	swait.ge [sflag:s20], $0x80  }
0x4a: {  	[sflag:s20] =	ssyncset.done $0x0  }
0x4b: {  	s19 =	simm.s32 $0xD680;
	s21 =	simm.s32 $0xDE80;
	[sflag:s20] =	ssyncadd.s32 $0xFFFFFF80  }
0x4c: {  	[tilespmem:s21], [sflag:$0xA] =	stream.indirect.gather [hbm4b:s1+s22], $0x1, s19, s22, $0xb8;
	[tilespmem:$0x180F8] =	vst v63  }
0x4d: {  	_ =	swait.ge [sflag:s20], $0x80  }
0x4e: {  	[sflag:s20] =	ssyncset.done $0x0  }
0x4f: {  	s19 =	simm.s32 $0xD700;
	s21 =	simm.s32 $0xDF00;
	[sflag:s20] =	ssyncadd.s32 $0xFFFFFF80  }
0x50: {  	[tilespmem:s21], [sflag:$0xA] =	stream.indirect.gather [hbm4b:s1+s22], $0x1, s19, s22, $0xb8;
	[tilespmem:$0x180F8] =	vst v63  }
0x51: {  	_ =	swait.ge [sflag:s20], $0x80  }
0x52: {  	[sflag:s20] =	ssyncset.done $0x0  }
0x53: {  	s19 =	simm.s32 $0xD780;
	s21 =	simm.s32 $0xDF80;
	[sflag:s20] =	ssyncadd.s32 $0xFFFFFF80  }
0x54: {  	[tilespmem:s21], [sflag:$0xA] =	stream.indirect.gather [hbm4b:s1+s22], $0x1, s19, s22, $0xb8;
	[tilespmem:$0x180F8] =	vst v63  }
0x55: {  	_ =	swait.ge [sflag:s20], $0x80  }
0x56: {  	s12 =	smov.u32 s5;
	[sflag:s20] =	ssyncset.done $0x0  }
0x57: {  	s19 =	simm.s32 $0xD800;
	s21 =	simm.s32 $0xE000;
	[sflag:s20] =	ssyncadd.s32 $0xFFFFFF80  }
0x58: {  	[tilespmem:s21], [sflag:$0xA] =	stream.indirect.gather [hbm4b:s1+s22], $0x1, s19, s22, $0xb8;
	[tilespmem:$0x180F8] =	vst v63  }
.LBB2_7:
0x59: {  	_ =	swait.ge [sflag:s20], $0x80  }
0x5a: {  	[sflag:s20] =	ssyncset.done $0x0  }
0x5b: {  	s8 =	rddreg [dreg:$0xc];
	[sflag:s20] =	ssyncadd.s32 $0xFFFFFF80  }
0x5c: {  	[hbm4b:s8+s17] =	stream.linear.scatter [tilespmem:s16], [sflag:$0xA], $0x800, $0x38;
	[tilespmem:$0x180F8] =	vst v63  }
0x5d: {  	_ =	swait.ge [sflag:s20], $0x800  }
0x5e: {  	[sflag:s20] =	ssyncset.done $0x0  }
0x5f: {  	[sflag:s20] =	ssyncadd.s32 $0xFFFFF800  }
0x60: {  	[bflag:$0x0] =	sbarrier.arrive $0xFFFF  }
0x61: {  	s16 =	rddreg [dreg:$0xd]  }
0x62: {  	[hbm:s16], [sflag:s9] =	dma.local [spmem:s12], $0x13C0  }
0x63: {  	_ =	swait.ge [sflag:s20], $0x13C0  }
0x64: {  	[sflag:s20] =	ssyncset.done $0x0  }
0x65: {  	s19 =	rddreg [dreg:$0xe];
	[sflag:s20] =	ssyncadd.s32 $0xFFFFEC40  }
0x66: {  	[hbm:s19], [sflag:s9] =	dma.local [spmem:s0], $0x4F  }
0x67: {  	_ =	swait.ge [sflag:s20], $0x4F  }
0x68: {  	s18 =	sadd.s32 $0x1, s18;
	s21 =	rddreg [dreg:$0xf]  }
0x69: {  	p1 =	sne.s32 s18, s21  }
.Ltmp1:
0x6a: {  	_ = 	snop;
	(pc) =	sbr.rel @!p1 .LBB2_8-.Ltmp1, $3  }
0x6b: {  	_ =	sdelay $0x1  }
0x6c: {  	[sflag:s20] =	ssyncset.done $0x0  }
0x6d: {  	[sflag:s20] =	ssyncadd.s32 $0xFFFFFFB1  }
.LBB2_1:
0x6e: {  	s0 =	rddreg [dreg:$0x6]  }
0x6f: {  	[spmem:s12], [sflag:s9] =	dma.local [hbm:s0], $0x13C0  }
0x70: {  	_ =	swait.ge [sflag:s20], $0x13C0  }
0x71: {  	[sflag:s20] =	ssyncset.done $0x0;
	s19 =	rddreg [dreg:$0x7]  }
0x72: {  	s8 =	rddreg [dreg:$0x8];
	[sflag:s20] =	ssyncadd.s32 $0xFFFFEC40;
	s0 =	sshrl.u32 s19, $0x3  }
0x73: {  	[spmem:s0], [sflag:s9] =	dma.local [hbm:s8], $0x4F  }
0x74: {  	_ =	swait.ge [sflag:s20], $0x4F  }
0x75: {  	[sflag:s20] =	ssyncset.done $0x0  }
0x76: {  	[sflag:s20] =	ssyncadd.s32 $0xFFFFFFB1  }
0x77: {  	[tilespmem:$0xD000] =	vst v0  }
0x78: {  	[tilespmem:$0xD010] =	vst v0  }
0x79: {  	[tilespmem:$0xD020] =	vst v0  }
0x7a: {  	[tilespmem:$0xD030] =	vst v0  }
0x7b: {  	[tilespmem:$0xD040] =	vst v0  }
0x7c: {  	[tilespmem:$0xD050] =	vst v0  }
0x7d: {  	[tilespmem:$0xD060] =	vst v0  }
0x7e: {  	[tilespmem:$0xD070] =	vst v0  }
0x7f: {  	[bflag:$0x0] =	sbarrier.arrive $0xFFFF  }
0x80: {  	s21 =	rddreg [dreg:$0x9]  }
0x81: {  	[tilespmem:s17], [sflag:$0xA] =	stream.linear.gather [hbm4b:s21+s17], $0x2800, $0x38;
	[tilespmem:$0x180F8] =	vst v63  }
0x82: {  	_ =	swait.ge [sflag:s20], $0x2800  }
0x83: {  	s5 =	smov.u32 s12;
	[sflag:s20] =	ssyncset.done $0x0  }
0x84: {  	s16 =	simm.s32 $0x2800;
	s12 =	rddreg [dreg:$0xa];
	[sflag:s20] =	ssyncadd.s32 $0xFFFFD800  }
0x85: {  	[tilespmem:s16], [sflag:$0xA] =	stream.linear.gather [hbm4b:s12+s17], $0x2800, $0x38;
	[tilespmem:$0x180F8] =	vst v63  }
0x86: {  	_ =	swait.ge [sflag:s20], $0x2800  }
0x87: {  	[sflag:s20] =	ssyncset.done $0x0  }
0x88: {  	[sflag:s20] =	ssyncadd.s32 $0xFFFFD800  }
0x89: {  	[tilespmem:s23], [sflag:$0x1] =	stream.indirect.gather [hbm4b:s6+s22], $0x40, s17, s22, $0xb8;
	[tilespmem:$0x180F8] =	vst v63  }
0x8a: {  	_ = 	snop  }
0x8b: {  	[tilespmem:s24], [sflag:$0x2] =	stream.indirect.gather [hbm4b:s6+s22], $0x40, s22, s22, $0xb8;
	[tilespmem:$0x180F8] =	vst v63  }
0x8c: {  	s17 =	simm.s32 $0x100  }
0x8d: {  	[tilespmem:s26], [sflag:$0x3] =	stream.indirect.gather [hbm4b:s6+s22], $0x40, s17, s22, $0xb8;
	[tilespmem:$0x180F8] =	vst v63  }
0x8e: {  	s19 =	simm.s32 $0x180  }
0x8f: {  	[tilespmem:s29], [sflag:$0x4] =	stream.indirect.gather [hbm4b:s6+s22], $0x40, s19, s22, $0xb8;
	[tilespmem:$0x180F8] =	vst v63  }
0x90: {  	_ =	swait.ge [sflag:s30], $0x2000  }
0x91: {  	[sflag:s30] =	ssyncset.done $0x0  }
0x92: {  	[sflag:s30] =	ssyncadd.s32 $0xFFFFE000  }
0x93: {  	[spmem:s3] =	stream.indirect.scatter.add.f32 [tilespmem:s23], [sflag:$0x5], $0x40, s16, s22, $0xb8;
	[tilespmem:$0x180F8] =	vst v63  }
0x94: {  	_ = 	snop  }
0x95: {  	[spmem:s4] =	stream.indirect.scatter.add.f32 [tilespmem:s31], [sflag:$0x9], $0x1, s16, s22, $0xb8;
	[tilespmem:$0x180F8] =	vst v63  }
0x96: {  	_ =	swait.ge [sflag:s2], $0x2000  }
0x97: {  	[sflag:s2] =	ssyncset.done $0x0  }
0x98: {  	s21 =	simm.s32 $0x2880;
	[sflag:s2] =	ssyncadd.s32 $0xFFFFE000  }
0x99: {  	[spmem:s3] =	stream.indirect.scatter.add.f32 [tilespmem:s24], [sflag:$0x6], $0x40, s21, s22, $0xb8;
	[tilespmem:$0x180F8] =	vst v63  }
0x9a: {  	_ = 	snop  }
0x9b: {  	[spmem:s4] =	stream.indirect.scatter.add.f32 [tilespmem:s31], [sflag:$0x9], $0x1, s21, s22, $0xb8;
	[tilespmem:$0x180F8] =	vst v63  }
0x9c: {  	_ =	swait.ge [sflag:s25], $0x2000  }
0x9d: {  	[sflag:s25] =	ssyncset.done $0x0  }
0x9e: {  	s12 =	simm.s32 $0x200;
	[sflag:s25] =	ssyncadd.s32 $0xFFFFE000  }
0x9f: {  	[tilespmem:s23], [sflag:$0x1] =	stream.indirect.gather [hbm4b:s6+s22], $0x40, s12, s22, $0xb8;
	[tilespmem:$0x180F8] =	vst v63  }
0xa0: {  	_ =	swait.ge [sflag:s28], $0x2000  }
0xa1: {  	[sflag:s28] =	ssyncset.done $0x0  }
0xa2: {  	s16 =	simm.s32 $0x2900;
	[sflag:s28] =	ssyncadd.s32 $0xFFFFE000  }
0xa3: {  	[spmem:s3] =	stream.indirect.scatter.add.f32 [tilespmem:s26], [sflag:$0x7], $0x40, s16, s22, $0xb8;
	[tilespmem:$0x180F8] =	vst v63  }
0xa4: {  	_ = 	snop  }
0xa5: {  	[spmem:s4] =	stream.indirect.scatter.add.f32 [tilespmem:s31], [sflag:$0x9], $0x1, s16, s22, $0xb8;
	[tilespmem:$0x180F8] =	vst v63  }
0xa6: {  	_ =	swait.ge [sflag:s10], $0x2000  }
0xa7: {  	[sflag:s10] =	ssyncset.done $0x0  }
0xa8: {  	s17 =	simm.s32 $0x280;
	[sflag:s10] =	ssyncadd.s32 $0xFFFFE000  }
0xa9: {  	[tilespmem:s24], [sflag:$0x2] =	stream.indirect.gather [hbm4b:s6+s22], $0x40, s17, s22, $0xb8;
	[tilespmem:$0x180F8] =	vst v63  }
0xaa: {  	_ =	swait.ge [sflag:s11], $0x2000  }
0xab: {  	[sflag:s11] =	ssyncset.done $0x0  }
0xac: {  	s19 =	simm.s32 $0x2980;
	[sflag:s11] =	ssyncadd.s32 $0xFFFFE000  }
0xad: {  	[spmem:s3] =	stream.indirect.scatter.add.f32 [tilespmem:s29], [sflag:$0x8], $0x40, s19, s22, $0xb8;
	[tilespmem:$0x180F8] =	vst v63  }
0xae: {  	_ = 	snop  }
0xaf: {  	[spmem:s4] =	stream.indirect.scatter.add.f32 [tilespmem:s31], [sflag:$0x9], $0x1, s19, s22, $0xb8;
	[tilespmem:$0x180F8] =	vst v63  }
0xb0: {  	_ =	swait.ge [sflag:s13], $0x2000  }
0xb1: {  	[sflag:s13] =	ssyncset.done $0x0  }
0xb2: {  	s8 =	simm.s32 $0x0;
	s21 =	simm.s32 $0x300;
	[sflag:s13] =	ssyncadd.s32 $0xFFFFE000  }
0xb3: {  	[tilespmem:s26], [sflag:$0x3] =	stream.indirect.gather [hbm4b:s6+s22], $0x40, s21, s22, $0xb8;
	[tilespmem:$0x180F8] =	vst v63  }
.LBB2_2:
0xb4: {  	_ =	swait.ge [sflag:s30], $0x2000  }
0xb5: {  	s12 =	sshra.s32 s8, $0x2;
	[sflag:s30] =	ssyncset.done $0x0  }
0xb6: {  	s16 =	sadd.s32 $0x2A00, s12;
	[sflag:s30] =	ssyncadd.s32 $0xFFFFE000  }
0xb7: {  	[spmem:s3] =	stream.indirect.scatter.add.f32 [tilespmem:s23], [sflag:$0x5], $0x40, s16, s22, $0xb8;
	[tilespmem:$0x180F8] =	vst v63  }
0xb8: {  	_ = 	snop  }
0xb9: {  	[spmem:s4] =	stream.indirect.scatter.add.f32 [tilespmem:s31], [sflag:$0x9], $0x1, s16, s22, $0xb8;
	[tilespmem:$0x180F8] =	vst v63  }
0xba: {  	_ =	swait.ge [sflag:s14], $0x10  }
0xbb: {  	[sflag:s14] =	ssyncset.done $0x0  }
0xbc: {  	[sflag:s14] =	ssyncadd.s32 $0xFFFFFFF0  }
0xbd: {  	_ =	swait.ge [sflag:s15], $0x2000  }
0xbe: {  	[sflag:s15] =	ssyncset.done $0x0  }
0xbf: {  	s21 =	sadd.s32 $0x380, s12;
	[sflag:s15] =	ssyncadd.s32 $0xFFFFE000  }
0xc0: {  	[tilespmem:s29], [sflag:$0x4] =	stream.indirect.gather [hbm4b:s6+s22], $0x40, s21, s22, $0xb8;
	[tilespmem:$0x180F8] =	vst v63  }
0xc1: {  	_ =	swait.ge [sflag:s2], $0x2000  }
0xc2: {  	[sflag:s2] =	ssyncset.done $0x0  }
0xc3: {  	s17 =	sadd.s32 $0x2A80, s12;
	[sflag:s2] =	ssyncadd.s32 $0xFFFFE000  }
0xc4: {  	[spmem:s3] =	stream.indirect.scatter.add.f32 [tilespmem:s24], [sflag:$0x6], $0x40, s17, s22, $0xb8;
	[tilespmem:$0x180F8] =	vst v63  }
0xc5: {  	_ = 	snop  }
0xc6: {  	[spmem:s4] =	stream.indirect.scatter.add.f32 [tilespmem:s31], [sflag:$0x9], $0x1, s17, s22, $0xb8;
	[tilespmem:$0x180F8] =	vst v63  }
0xc7: {  	_ =	swait.ge [sflag:s14], $0x10  }
0xc8: {  	p1 =	seq.s32 s8, $0x9000;
	[sflag:s14] =	ssyncset.done $0x0  }
0xc9: {  	s16 =	simm.s32 @!p1 $0x5;
	[sflag:s14] =	ssyncadd.s32 $0xFFFFFFF0  }
0xca: {  	_ =	swait.ge @!p1 [sflag:s16], $0x2000  }
0xcb: {  	[sflag:s16] =	ssyncset.done @!p1 $0x0  }
0xcc: {  	[sflag:s16] =	ssyncadd.s32 @!p1 $0xFFFFE000;
	s16 =	sshra.s32 @!p1 s8, $0x2  }
0xcd: {  	s19 =	simm.s32 @!p1 $0x5000;
	s21 =	simm.s32 @!p1 $0x80;
	s17 =	sadd.s32 @!p1 $0x400, s16  }
0xce: {  	[tilespmem:s19], [sflag:$0x1] =	stream.indirect.gather @!p1 [hbm4b:s6+s21], $0x40, s17, s21, $0xb8;
	[tilespmem:$0x180F8] =	vst v63  }
0xcf: {  	_ =	swait.ge [sflag:s28], $0x2000  }
0xd0: {  	[sflag:s28] =	ssyncset.done $0x0  }
0xd1: {  	s19 =	sadd.s32 $0x2B00, s12;
	[sflag:s28] =	ssyncadd.s32 $0xFFFFE000  }
0xd2: {  	[spmem:s3] =	stream.indirect.scatter.add.f32 [tilespmem:s26], [sflag:$0x7], $0x40, s19, s22, $0xb8;
	[tilespmem:$0x180F8] =	vst v63  }
0xd3: {  	_ = 	snop  }
0xd4: {  	[spmem:s4] =	stream.indirect.scatter.add.f32 [tilespmem:s31], [sflag:$0x9], $0x1, s19, s22, $0xb8;
	[tilespmem:$0x180F8] =	vst v63  }
0xd5: {  	_ =	swait.ge [sflag:s14], $0x10  }
0xd6: {  	[sflag:s14] =	ssyncset.done $0x0  }
0xd7: {  	s17 =	simm.s32 @!p1 $0x6;
	[sflag:s14] =	ssyncadd.s32 $0xFFFFFFF0  }
0xd8: {  	_ =	swait.ge @!p1 [sflag:s17], $0x2000  }
0xd9: {  	[sflag:s17] =	ssyncset.done @!p1 $0x0  }
0xda: {  	s16 =	sadd.s32 @!p1 $0x480, s16;
	[sflag:s17] =	ssyncadd.s32 @!p1 $0xFFFFE000;
	s17 =	simm.s32 @!p1 $0x7000  }
0xdb: {  	[tilespmem:s17], [sflag:$0x2] =	stream.indirect.gather @!p1 [hbm4b:s6+s21], $0x40, s16, s21, $0xb8;
	[tilespmem:$0x180F8] =	vst v63  }
0xdc: {  	_ =	swait.ge [sflag:s11], $0x2000  }
0xdd: {  	[sflag:s11] =	ssyncset.done $0x0  }
0xde: {  	s21 =	sadd.s32 $0x2B80, s12;
	[sflag:s11] =	ssyncadd.s32 $0xFFFFE000  }
0xdf: {  	[spmem:s3] =	stream.indirect.scatter.add.f32 [tilespmem:s29], [sflag:$0x8], $0x40, s21, s22, $0xb8;
	[tilespmem:$0x180F8] =	vst v63  }
.Ltmp2:
0xe0: {  	_ = 	snop;
	(pc) =	sbr.rel @p1 .LBB2_4-.Ltmp2, $4  }
0xe1: {  	[spmem:s4] =	stream.indirect.scatter.add.f32 [tilespmem:s31], [sflag:$0x9], $0x1, s21, s22, $0xb8;
	[tilespmem:$0x180F8] =	vst v63  }
0xe2: {  	_ =	swait.ge [sflag:s14], $0x10  }
0xe3: {  	[sflag:s14] =	ssyncset.done $0x0  }
0xe4: {  	[sflag:s14] =	ssyncadd.s32 $0xFFFFFFF0  }
.Ltmp3:
0xe5: {  	(pc) =	sbr.rel .LBB2_2-.Ltmp3, $4  }
0xe6: {  	_ =	swait.ge [sflag:s13], $0x2000  }
0xe7: {  	[sflag:s13] =	ssyncset.done $0x0  }
0xe8: {  	s12 =	sadd.s32 $0x500, s12;
	s8 =	sadd.s32 $0x800, s8;
	[sflag:s13] =	ssyncadd.s32 $0xFFFFE000  }
0xe9: {  	[tilespmem:s26], [sflag:$0x3] =	stream.indirect.gather [hbm4b:s6+s22], $0x40, s12, s22, $0xb8;
	[tilespmem:$0x180F8] =	vst v63  }
.LBB2_4:
0xea: {  	_ =	swait.ge [sflag:s25], $0x2000  }
0xeb: {  	[sflag:s25] =	ssyncset.done $0x0  }
0xec: {  	[sflag:s25] =	ssyncadd.s32 $0xFFFFE000  }
0xed: {  	_ =	swait.ge [sflag:s10], $0x2000  }
0xee: {  	[sflag:s10] =	ssyncset.done $0x0  }
0xef: {  	[sflag:s10] =	ssyncadd.s32 $0xFFFFE000  }
0xf0: {  	_ =	swait.ge [sflag:s13], $0x2000  }
0xf1: {  	[sflag:s13] =	ssyncset.done $0x0  }
0xf2: {  	[sflag:s13] =	ssyncadd.s32 $0xFFFFE000  }
0xf3: {  	_ =	swait.ge [sflag:s15], $0x2000  }
0xf4: {  	[sflag:s15] =	ssyncset.done $0x0  }
0xf5: {  	[sflag:s15] =	ssyncadd.s32 $0xFFFFE000  }
0xf6: {  	_ =	swait.ge [sflag:s14], $0x40  }
0xf7: {  	s17 =	simm.s32 $0x0;
	s12 =	simm.s32 $0xD080;
	[sflag:s14] =	ssyncset.done $0x0  }
.Ltmp4:
0xf8: {  	s8 =	rddreg [dreg:$0xb];
	[sflag:s14] =	ssyncadd.s32 $0xFFFFFFC0;
	(pc) =	sbr.rel @p0 .LBB2_6-.Ltmp4, $4  }
0xf9: {  	[tilespmem:s12], [sflag:$0xA] =	stream.linear.gather [hbm4b:s8+s17], $0x800, $0x38;
	[tilespmem:$0x180F8] =	vst v63  }
0xfa: {  	_ =	swait.ge [sflag:s20], $0x800  }
0xfb: {  	[sflag:s20] =	ssyncset.done $0x0  }
0xfc: {  	s16 =	simm.s32 $0xD880;
	[sflag:s20] =	ssyncadd.s32 $0xFFFFF800  }
0xfd: {  	[tilespmem:s16], [sflag:$0xA] =	stream.indirect.gather [hbm4b:s7+s22], $0x1, s12, s22, $0xb8;
	[tilespmem:$0x180F8] =	vst v63  }
0xfe: {  	_ =	swait.ge [sflag:s20], $0x80  }
0xff: {  	[sflag:s20] =	ssyncset.done $0x0  }
0x100: {  	s8 =	simm.s32 $0xD100;
	s21 =	simm.s32 $0xD900;
	[sflag:s20] =	ssyncadd.s32 $0xFFFFFF80  }
0x101: {  	[tilespmem:s21], [sflag:$0xA] =	stream.indirect.gather [hbm4b:s7+s22], $0x1, s8, s22, $0xb8;
	[tilespmem:$0x180F8] =	vst v63  }
0x102: {  	_ =	swait.ge [sflag:s20], $0x80  }
0x103: {  	[sflag:s20] =	ssyncset.done $0x0  }
0x104: {  	s19 =	simm.s32 $0xD180;
	s21 =	simm.s32 $0xD980;
	[sflag:s20] =	ssyncadd.s32 $0xFFFFFF80  }
0x105: {  	[tilespmem:s21], [sflag:$0xA] =	stream.indirect.gather [hbm4b:s7+s22], $0x1, s19, s22, $0xb8;
	[tilespmem:$0x180F8] =	vst v63  }
0x106: {  	_ =	swait.ge [sflag:s20], $0x80  }
0x107: {  	[sflag:s20] =	ssyncset.done $0x0  }
0x108: {  	s19 =	simm.s32 $0xD200;
	s21 =	simm.s32 $0xDA00;
	[sflag:s20] =	ssyncadd.s32 $0xFFFFFF80  }
0x109: {  	[tilespmem:s21], [sflag:$0xA] =	stream.indirect.gather [hbm4b:s7+s22], $0x1, s19, s22, $0xb8;
	[tilespmem:$0x180F8] =	vst v63  }
0x10a: {  	_ =	swait.ge [sflag:s20], $0x80  }
0x10b: {  	[sflag:s20] =	ssyncset.done $0x0  }
0x10c: {  	s19 =	simm.s32 $0xD280;
	s21 =	simm.s32 $0xDA80;
	[sflag:s20] =	ssyncadd.s32 $0xFFFFFF80  }
0x10d: {  	[tilespmem:s21], [sflag:$0xA] =	stream.indirect.gather [hbm4b:s7+s22], $0x1, s19, s22, $0xb8;
	[tilespmem:$0x180F8] =	vst v63  }
0x10e: {  	_ =	swait.ge [sflag:s20], $0x80  }
0x10f: {  	[sflag:s20] =	ssyncset.done $0x0  }
0x110: {  	s19 =	simm.s32 $0xD300;
	s21 =	simm.s32 $0xDB00;
	[sflag:s20] =	ssyncadd.s32 $0xFFFFFF80  }
0x111: {  	[tilespmem:s21], [sflag:$0xA] =	stream.indirect.gather [hbm4b:s7+s22], $0x1, s19, s22, $0xb8;
	[tilespmem:$0x180F8] =	vst v63  }
0x112: {  	_ =	swait.ge [sflag:s20], $0x80  }
0x113: {  	[sflag:s20] =	ssyncset.done $0x0  }
0x114: {  	s19 =	simm.s32 $0xD380;
	s21 =	simm.s32 $0xDB80;
	[sflag:s20] =	ssyncadd.s32 $0xFFFFFF80  }
0x115: {  	[tilespmem:s21], [sflag:$0xA] =	stream.indirect.gather [hbm4b:s7+s22], $0x1, s19, s22, $0xb8;
	[tilespmem:$0x180F8] =	vst v63  }
0x116: {  	_ =	swait.ge [sflag:s20], $0x80  }
0x117: {  	[sflag:s20] =	ssyncset.done $0x0  }
0x118: {  	s19 =	simm.s32 $0xD400;
	s21 =	simm.s32 $0xDC00;
	[sflag:s20] =	ssyncadd.s32 $0xFFFFFF80  }
0x119: {  	[tilespmem:s21], [sflag:$0xA] =	stream.indirect.gather [hbm4b:s7+s22], $0x1, s19, s22, $0xb8;
	[tilespmem:$0x180F8] =	vst v63  }
0x11a: {  	_ =	swait.ge [sflag:s20], $0x80  }
0x11b: {  	[sflag:s20] =	ssyncset.done $0x0  }
0x11c: {  	s19 =	simm.s32 $0xD480;
	s21 =	simm.s32 $0xDC80;
	[sflag:s20] =	ssyncadd.s32 $0xFFFFFF80  }
0x11d: {  	[tilespmem:s21], [sflag:$0xA] =	stream.indirect.gather [hbm4b:s7+s22], $0x1, s19, s22, $0xb8;
	[tilespmem:$0x180F8] =	vst v63  }
0x11e: {  	_ =	swait.ge [sflag:s20], $0x80  }
0x11f: {  	[sflag:s20] =	ssyncset.done $0x0  }
0x120: {  	s19 =	simm.s32 $0xD500;
	s21 =	simm.s32 $0xDD00;
	[sflag:s20] =	ssyncadd.s32 $0xFFFFFF80  }
0x121: {  	[tilespmem:s21], [sflag:$0xA] =	stream.indirect.gather [hbm4b:s7+s22], $0x1, s19, s22, $0xb8;
	[tilespmem:$0x180F8] =	vst v63  }
0x122: {  	_ =	swait.ge [sflag:s20], $0x80  }
0x123: {  	[sflag:s20] =	ssyncset.done $0x0  }
0x124: {  	s19 =	simm.s32 $0xD580;
	s21 =	simm.s32 $0xDD80;
	[sflag:s20] =	ssyncadd.s32 $0xFFFFFF80  }
0x125: {  	[tilespmem:s21], [sflag:$0xA] =	stream.indirect.gather [hbm4b:s7+s22], $0x1, s19, s22, $0xb8;
	[tilespmem:$0x180F8] =	vst v63  }
0x126: {  	_ =	swait.ge [sflag:s20], $0x80  }
0x127: {  	[sflag:s20] =	ssyncset.done $0x0  }
0x128: {  	s19 =	simm.s32 $0xD600;
	s21 =	simm.s32 $0xDE00;
	[sflag:s20] =	ssyncadd.s32 $0xFFFFFF80  }
0x129: {  	[tilespmem:s21], [sflag:$0xA] =	stream.indirect.gather [hbm4b:s7+s22], $0x1, s19, s22, $0xb8;
	[tilespmem:$0x180F8] =	vst v63  }
0x12a: {  	_ =	swait.ge [sflag:s20], $0x80  }
0x12b: {  	[sflag:s20] =	ssyncset.done $0x0  }
0x12c: {  	s19 =	simm.s32 $0xD680;
	s21 =	simm.s32 $0xDE80;
	[sflag:s20] =	ssyncadd.s32 $0xFFFFFF80  }
0x12d: {  	[tilespmem:s21], [sflag:$0xA] =	stream.indirect.gather [hbm4b:s7+s22], $0x1, s19, s22, $0xb8;
	[tilespmem:$0x180F8] =	vst v63  }
0x12e: {  	_ =	swait.ge [sflag:s20], $0x80  }
0x12f: {  	[sflag:s20] =	ssyncset.done $0x0  }
0x130: {  	s19 =	simm.s32 $0xD700;
	s21 =	simm.s32 $0xDF00;
	[sflag:s20] =	ssyncadd.s32 $0xFFFFFF80  }
0x131: {  	[tilespmem:s21], [sflag:$0xA] =	stream.indirect.gather [hbm4b:s7+s22], $0x1, s19, s22, $0xb8;
	[tilespmem:$0x180F8] =	vst v63  }
0x132: {  	_ =	swait.ge [sflag:s20], $0x80  }
0x133: {  	[sflag:s20] =	ssyncset.done $0x0  }
0x134: {  	s19 =	simm.s32 $0xD780;
	s21 =	simm.s32 $0xDF80;
	[sflag:s20] =	ssyncadd.s32 $0xFFFFFF80  }
0x135: {  	[tilespmem:s21], [sflag:$0xA] =	stream.indirect.gather [hbm4b:s7+s22], $0x1, s19, s22, $0xb8;
	[tilespmem:$0x180F8] =	vst v63  }
.Ltmp5:
0x136: {  	_ = 	snop;
	(pc) =	sbr.rel .LBB2_7-.Ltmp5, $4  }
0x137: {  	_ =	swait.ge [sflag:s20], $0x80  }
0x138: {  	s12 =	smov.u32 s5;
	[sflag:s20] =	ssyncset.done $0x0  }
0x139: {  	s19 =	simm.s32 $0xD800;
	s21 =	simm.s32 $0xE000;
	[sflag:s20] =	ssyncadd.s32 $0xFFFFFF80  }
0x13a: {  	[tilespmem:s21], [sflag:$0xA] =	stream.indirect.gather [hbm4b:s7+s22], $0x1, s19, s22, $0xb8;
	[tilespmem:$0x180F8] =	vst v63  }
.LBB2_8:
0x13b: {  	_ =	sfence.sel $0x180000  }
0x13c: {  	[bflag:$0x0] =	sbarrier.arrive $0xFFFF  }
0x13d: {  	_ =	strace $0x90000047  }
0x13e: {  	s0 =	stileid.u32;
	[bflag:$0x2] =	sbarrier.arrive $0xFFFF  }
0x13f: {  	p0 =	sne.s32 s0, $0x0;
	s0 =	rddreg [dreg:$0x5]  }
0x140: {  	s0 =	sadd.s32 @!p0 $0x100000, s0  }
0x141: {  	[sflag:s0] =	ssyncadd.tile.s32 @!p0 $0x1;
	_ =	shalt  }
.Lfunc_end2:
_tile_overlayer_lowered:
.L_overlay_start_2:
0x142: {  	(tag) =	ssettag $0x2  }
0x143: {  	s0 =	rddreg [dreg:$0x0];
	s2 =	stileid.u32  }
0x144: {  	s1 =	rddreg [dreg:$0x1];
	p0 =	sne.s32 s2, $0x0  }
0x145: {  	s3 =	rddreg [dreg:$0x2];
	[bflag:$0x3] =	sbarrier.arrive $0xFFFF;
	s2 =	simm.s32 @!p0 $0x1C0A  }
0x146: {  	[timem:s3], [sflag:s2] =	dma.local @!p0 [hbm:s0], s1  }
0x147: {  	s0 =	simm.s32 @!p0 $0xA  }
0x148: {  	_ =	swait.ge @!p0 [sflag:s0], s1  }
0x149: {  	s1 =	ssub.s32 @!p0 $0x0, s1;
	[sflag:s0] =	ssyncset.done @!p0 $0x0  }
0x14a: {  	[sflag:s0] =	ssyncadd.s32 @!p0 s1  }
0x14b: {  	[bflag:$0x3] =	sbarrier.arrive $0xFFFF  }
0x14c: {  	_ =	shalt  }

</sc_bundles>
